<compile_context>
chip_gen: v7x
topology: tpu7x:2x2x1
jax: 0.10.2.dev20260603
libtpu: 0.0.44.dev20260713+nightly
codegen_flags: <defaults>
</compile_context>

<pallas_src>
import functools

import jax
import jax.numpy as jnp
from jax import lax
from jax.experimental import pallas as pl
from jax.experimental.pallas import tpu as pltpu
from jax.experimental.pallas import tpu_sc as plsc

DAY = 288
D = 128
B_TOTAL = 4096 * 200
NW = 32
B_PER_W = B_TOTAL // NW
G = 64
NG = 1
W = G * NG
NGRP = B_PER_W // W
NBUF = 8
L = 16


def _make_sc_call():
    mesh = plsc.VectorSubcoreMesh(core_axis_name="c", subcore_axis_name="s")

    @functools.partial(
        pl.kernel,
        out_type=jax.ShapeDtypeStruct((B_TOTAL, D), jnp.float32),
        mesh=mesh,
        scratch_types=(
            [pltpu.VMEM_SHARED((DAY, D), jnp.float32)]
            + [pltpu.VMEM((B_PER_W,), jnp.float32)]
            + [pltpu.VMEM((NBUF * NG, G), jnp.int32)]
            + [pltpu.VMEM((W, D), jnp.float32) for _ in range(NBUF)]
            + [pltpu.SemaphoreType.DMA for _ in range(2 * NBUF)]
        ),
    )
    def sc_embed(x_hbm, table_hbm, out_hbm, table_sp, x_v, idx_v, *rest):
        rows = rest[:NBUF]
        gsem = rest[NBUF:2 * NBUF]
        wsem = rest[2 * NBUF:]

        wid = lax.axis_index("s") * 2 + lax.axis_index("c")
        base = wid * B_PER_W

        sid = lax.axis_index("s")

        @pl.when(sid < DAY // 32)
        def _():
            off = pl.multiple_of(sid * 32, 32)
            pltpu.sync_copy(table_hbm.at[pl.ds(off, 32)],
                            table_sp.at[pl.ds(off, 32)])

        pltpu.sync_copy(x_hbm.at[pl.ds(base, B_PER_W)], x_v)
        plsc.subcore_barrier()

        def compute_idx(g, b):
            for h in range(NG):
                for i in range(G // L):
                    xv = x_v[pl.ds(g * W + h * G + i * L, L)]
                    idx_v[NG * b + h, pl.ds(i * L, L)] = (
                        xv * float(DAY)).astype(jnp.int32)

        def gathers(b):
            return [
                pltpu.make_async_copy(
                    table_sp.at[idx_v.at[NG * b + h]],
                    rows[b].at[pl.ds(h * G, G)], gsem[b])
                for h in range(NG)
            ]

        def write(b, g):
            return pltpu.make_async_copy(
                rows[b], out_hbm.at[pl.ds(base + g * W, W)], wsem[b])

        for b in range(NBUF):
            compute_idx(b, b)
            for c in gathers(b):
                c.start()

        def body(go, _):
            for b in range(NBUF):
                gg = go * NBUF + b
                for c in gathers(b):
                    c.wait()
                w = write(b, gg)
                w.start()
                compute_idx(gg + NBUF, b)
                w.wait()
                for c in gathers(b):
                    c.start()
            return _

        lax.fori_loop(0, (NGRP - NBUF) // NBUF, body, None)

        for b in range(NBUF):
            for c in gathers(b):
                c.wait()
            write(b, NGRP - NBUF + b).start()
        for b in range(NBUF):
            write(b, NGRP - NBUF + b).wait()

    return sc_embed


_sc_embed = _make_sc_call()


@jax.jit
def kernel(x, day_embed):
    out = _sc_embed(x.reshape(B_TOTAL), day_embed)
    return out.reshape(x.shape[0], x.shape[1], D)

# --- scband reference (transcript-rebuilt; emitter-appended) ---
"""Pipeline reference for scband-temporal-embedding-50757923504507 (READ-ONLY COPY).

The authoritative reference and input builder live on the scoring server;
editing this copy changes nothing except your own understanding.
"""

import jax, jax.numpy as jnp
import numpy as np

DAY_SIZE = 288
D_MODEL = 128

def setup_inputs(seed: int = 0) -> dict:
    key = jax.random.key(seed)
    k1, k2 = jax.random.split(key)
    x = jax.random.uniform(k1, (4096, 200), dtype=jnp.float32)
    day_embed = jax.random.normal(k2, (DAY_SIZE, D_MODEL), dtype=jnp.float32) * 0.02
    return {"x": x, "day_embed": day_embed}

def reference(x, day_embed):
    idx = (x * DAY_SIZE).astype(jnp.int32)
    day_x = jnp.take(day_embed, idx, axis=0)
    return day_x

if __name__ == "__main__":
    import jax
    _d = setup_inputs()
    print(jax.jit(kernel)(*tuple(_d.values())))

</pallas_src>

<mosaic_0001>
#map = affine_map<(d0, d1) -> (0)>
#map1 = affine_map<(d0, d1) -> (0, 0)>
module attributes {stable_mosaic.version = 14 : i64} {
  func.func @sc_embed(%arg0: i32, %arg1: i32, %arg2: memref<819200xf32, #tpu.memory_space<hbm>>, %arg3: memref<288x128xf32, #tpu.memory_space<hbm>>, %arg4: memref<819200x128xf32, #tpu.memory_space<hbm>>, %arg5: memref<288x128xf32, #tpu.memory_space<vmem_shared>>, %arg6: memref<25600xf32, #tpu.memory_space<vmem>>, %arg7: memref<8x64xi32, #tpu.memory_space<vmem>>, %arg8: memref<64x128xf32, #tpu.memory_space<vmem>>, %arg9: memref<64x128xf32, #tpu.memory_space<vmem>>, %arg10: memref<64x128xf32, #tpu.memory_space<vmem>>, %arg11: memref<64x128xf32, #tpu.memory_space<vmem>>, %arg12: memref<64x128xf32, #tpu.memory_space<vmem>>, %arg13: memref<64x128xf32, #tpu.memory_space<vmem>>, %arg14: memref<64x128xf32, #tpu.memory_space<vmem>>, %arg15: memref<64x128xf32, #tpu.memory_space<vmem>>, %arg16: memref<!tpu.dma_semaphore, #tpu.memory_space<semaphore_mem>>, %arg17: memref<!tpu.dma_semaphore, #tpu.memory_space<semaphore_mem>>, %arg18: memref<!tpu.dma_semaphore, #tpu.memory_space<semaphore_mem>>, %arg19: memref<!tpu.dma_semaphore, #tpu.memory_space<semaphore_mem>>, %arg20: memref<!tpu.dma_semaphore, #tpu.memory_space<semaphore_mem>>, %arg21: memref<!tpu.dma_semaphore, #tpu.memory_space<semaphore_mem>>, %arg22: memref<!tpu.dma_semaphore, #tpu.memory_space<semaphore_mem>>, %arg23: memref<!tpu.dma_semaphore, #tpu.memory_space<semaphore_mem>>, %arg24: memref<!tpu.dma_semaphore, #tpu.memory_space<semaphore_mem>>, %arg25: memref<!tpu.dma_semaphore, #tpu.memory_space<semaphore_mem>>, %arg26: memref<!tpu.dma_semaphore, #tpu.memory_space<semaphore_mem>>, %arg27: memref<!tpu.dma_semaphore, #tpu.memory_space<semaphore_mem>>, %arg28: memref<!tpu.dma_semaphore, #tpu.memory_space<semaphore_mem>>, %arg29: memref<!tpu.dma_semaphore, #tpu.memory_space<semaphore_mem>>, %arg30: memref<!tpu.dma_semaphore, #tpu.memory_space<semaphore_mem>>, %arg31: memref<!tpu.dma_semaphore, #tpu.memory_space<semaphore_mem>>) attributes {dimension_semantics = [#tpu.dimension_semantics<core_parallel>, #tpu.dimension_semantics<subcore_parallel>], iteration_bounds = array<i64: 2, 16>, scalar_prefetch = 0 : i64, scratch_operands = 27 : i64, tpu.core_type = #tpu.core_type<sc_vector_subcore>, window_params = [{transform_indices = #map}, {transform_indices = #map1}, {transform_indices = #map1}]} {
    %mul3A = arith.constant 2 : i32
    %mul3A_0 = arith.muli %arg1, %mul3A : i32
    %add3A = arith.addi %mul3A_0, %arg0 : i32
    %mul3A_1 = arith.constant 25600 : i32
    %mul3A_2 = arith.muli %add3A, %mul3A_1 : i32
    %lt3A = arith.constant 9 : i32
    %lt3A_3 = arith.cmpi slt, %arg1, %lt3A : i32
    %convert_element_type3A = arith.extui %lt3A_3 : i1 to i32
    %cond3A = arith.constant 0 : i32
    %cond3A_4 = arith.cmpi ne, %convert_element_type3A, %cond3A : i32
    scf.if %cond3A_4 {
      %mul3A_677 = arith.constant 32 : i32
      %mul3A_678 = arith.muli %arg1, %mul3A_677 : i32
      %multiple_of3A = tpu.assume_multiple %mul3A_678, 32 : i32
      "tpu.region"() ({
        %run_scoped3A = tpu.sem_alloc : memref<!tpu.dma_semaphore, #tpu.memory_space<semaphore_mem>>
        %dma_start3A_679 = arith.constant 0 : i32
        %dma_start3A_680 = tpu.memref_slice %arg5[%multiple_of3A, %dma_start3A_679] : memref<288x128xf32, #tpu.memory_space<vmem_shared>> -> memref<32x128xf32, #tpu.memory_space<vmem_shared>>
        %dma_start3A_681 = arith.constant 0 : i32
        %dma_start3A_682 = tpu.memref_slice %arg3[%multiple_of3A, %dma_start3A_681] : memref<288x128xf32, #tpu.memory_space<hbm>> -> memref<32x128xf32, #tpu.memory_space<hbm>>
        tpu.enqueue_dma source(%dma_start3A_682 : memref<32x128xf32, #tpu.memory_space<hbm>>) target(%dma_start3A_680 : memref<32x128xf32, #tpu.memory_space<vmem_shared>>) target_semaphore(%run_scoped3A : memref<!tpu.dma_semaphore, #tpu.memory_space<semaphore_mem>>)
        %dma_wait3A_683 = arith.constant 0 : i32
        %dma_wait3A_684 = tpu.memref_slice %arg5[%multiple_of3A, %dma_wait3A_683] : memref<288x128xf32, #tpu.memory_space<vmem_shared>> -> memref<32x128xf32, #tpu.memory_space<vmem_shared>>
        %dma_wait3A_685 = arith.constant 0 : i32
        %dma_wait3A_686 = tpu.memref_slice %arg3[%multiple_of3A, %dma_wait3A_685] : memref<288x128xf32, #tpu.memory_space<hbm>> -> memref<32x128xf32, #tpu.memory_space<hbm>>
        tpu.wait_dma2 semaphore(%run_scoped3A : memref<!tpu.dma_semaphore, #tpu.memory_space<semaphore_mem>>) src(%dma_wait3A_686 : memref<32x128xf32, #tpu.memory_space<hbm>>) dst(%dma_wait3A_684 : memref<32x128xf32, #tpu.memory_space<vmem_shared>>)
        tpu.yield
      }) : () -> ()
    } else {
    }
    "tpu.region"() ({
      %run_scoped3A = tpu.sem_alloc : memref<!tpu.dma_semaphore, #tpu.memory_space<semaphore_mem>>
      %dma_start3A_677 = tpu.memref_slice %arg2[%mul3A_2] : memref<819200xf32, #tpu.memory_space<hbm>> -> memref<25600xf32, #tpu.memory_space<hbm>>
      %dma_start3A_678 = tpu.memref_slice %arg2[%mul3A_2] : memref<819200xf32, #tpu.memory_space<hbm>> -> memref<25600xf32, #tpu.memory_space<hbm>>
      tpu.enqueue_dma source(%dma_start3A_678 : memref<25600xf32, #tpu.memory_space<hbm>>) target(%arg6 : memref<25600xf32, #tpu.memory_space<vmem>>) target_semaphore(%run_scoped3A : memref<!tpu.dma_semaphore, #tpu.memory_space<semaphore_mem>>)
      %dma_wait3A_679 = tpu.memref_slice %arg2[%mul3A_2] : memref<819200xf32, #tpu.memory_space<hbm>> -> memref<25600xf32, #tpu.memory_space<hbm>>
      %dma_wait3A_680 = tpu.memref_slice %arg2[%mul3A_2] : memref<819200xf32, #tpu.memory_space<hbm>> -> memref<25600xf32, #tpu.memory_space<hbm>>
      tpu.wait_dma2 semaphore(%run_scoped3A : memref<!tpu.dma_semaphore, #tpu.memory_space<semaphore_mem>>) src(%dma_wait3A_680 : memref<25600xf32, #tpu.memory_space<hbm>>) dst(%arg6 : memref<25600xf32, #tpu.memory_space<vmem>>)
      tpu.yield
    }) : () -> ()
    %barrier3A = arith.constant 0 : index
    tpu.barrier barrier_id(%barrier3A)
    %get3A = arith.constant 0 : index
    %get3A_5 = tpu.vector_load %arg6[%get3A] {strides = array<i32>} : memref<25600xf32, #tpu.memory_space<vmem>>, vector<16xf32>,
    %get3A_6 = vector.shape_cast %get3A_5 : vector<16xf32> to vector<16xf32>
    %mul3A_7 = arith.constant 2.880000e+02 : f32
    %mul3A_8 = vector.broadcast %mul3A_7 : f32 to vector<16xf32>
    %mul3A_9 = arith.mulf %get3A_6, %mul3A_8 : vector<16xf32>
    %convert_element_type3A_10 = arith.fptosi %mul3A_9 : vector<16xf32> to vector<16xi32>
    %swap3A = arith.constant 0 : i32
    %swap3A_11 = arith.index_cast %swap3A : i32 to index
    %swap3A_12 = arith.constant 0 : index
    %swap3A_13 = tpu.vector_load %arg7[%swap3A_11, %swap3A_12] {strides = array<i32>} : memref<8x64xi32, #tpu.memory_space<vmem>>, vector<1x16xi32>,
    %swap3A_14 = vector.shape_cast %swap3A_13 : vector<1x16xi32> to vector<16xi32>
    %swap3A_15 = vector.shape_cast %convert_element_type3A_10 : vector<16xi32> to vector<1x16xi32>
    tpu.vector_store %arg7[%swap3A_11, %swap3A_12], %swap3A_15 {strides = array<i32>} : memref<8x64xi32, #tpu.memory_space<vmem>>, vector<1x16xi32>,
    %get3A_16 = arith.constant 16 : index
    %get3A_17 = tpu.vector_load %arg6[%get3A_16] {strides = array<i32>} : memref<25600xf32, #tpu.memory_space<vmem>>, vector<16xf32>,
    %get3A_18 = vector.shape_cast %get3A_17 : vector<16xf32> to vector<16xf32>
    %mul3A_19 = arith.constant 2.880000e+02 : f32
    %mul3A_20 = vector.broadcast %mul3A_19 : f32 to vector<16xf32>
    %mul3A_21 = arith.mulf %get3A_18, %mul3A_20 : vector<16xf32>
    %convert_element_type3A_22 = arith.fptosi %mul3A_21 : vector<16xf32> to vector<16xi32>
    %swap3A_23 = arith.constant 0 : i32
    %swap3A_24 = arith.index_cast %swap3A_23 : i32 to index
    %swap3A_25 = arith.constant 16 : index
    %swap3A_26 = tpu.vector_load %arg7[%swap3A_24, %swap3A_25] {strides = array<i32>} : memref<8x64xi32, #tpu.memory_space<vmem>>, vector<1x16xi32>,
    %swap3A_27 = vector.shape_cast %swap3A_26 : vector<1x16xi32> to vector<16xi32>
    %swap3A_28 = vector.shape_cast %convert_element_type3A_22 : vector<16xi32> to vector<1x16xi32>
    tpu.vector_store %arg7[%swap3A_24, %swap3A_25], %swap3A_28 {strides = array<i32>} : memref<8x64xi32, #tpu.memory_space<vmem>>, vector<1x16xi32>,
    %get3A_29 = arith.constant 32 : index
    %get3A_30 = tpu.vector_load %arg6[%get3A_29] {strides = array<i32>} : memref<25600xf32, #tpu.memory_space<vmem>>, vector<16xf32>,
    %get3A_31 = vector.shape_cast %get3A_30 : vector<16xf32> to vector<16xf32>
    %mul3A_32 = arith.constant 2.880000e+02 : f32
    %mul3A_33 = vector.broadcast %mul3A_32 : f32 to vector<16xf32>
    %mul3A_34 = arith.mulf %get3A_31, %mul3A_33 : vector<16xf32>
    %convert_element_type3A_35 = arith.fptosi %mul3A_34 : vector<16xf32> to vector<16xi32>
    %swap3A_36 = arith.constant 0 : i32
    %swap3A_37 = arith.index_cast %swap3A_36 : i32 to index
    %swap3A_38 = arith.constant 32 : index
    %swap3A_39 = tpu.vector_load %arg7[%swap3A_37, %swap3A_38] {strides = array<i32>} : memref<8x64xi32, #tpu.memory_space<vmem>>, vector<1x16xi32>,
    %swap3A_40 = vector.shape_cast %swap3A_39 : vector<1x16xi32> to vector<16xi32>
    %swap3A_41 = vector.shape_cast %convert_element_type3A_35 : vector<16xi32> to vector<1x16xi32>
    tpu.vector_store %arg7[%swap3A_37, %swap3A_38], %swap3A_41 {strides = array<i32>} : memref<8x64xi32, #tpu.memory_space<vmem>>, vector<1x16xi32>,
    %get3A_42 = arith.constant 48 : index
    %get3A_43 = tpu.vector_load %arg6[%get3A_42] {strides = array<i32>} : memref<25600xf32, #tpu.memory_space<vmem>>, vector<16xf32>,
    %get3A_44 = vector.shape_cast %get3A_43 : vector<16xf32> to vector<16xf32>
    %mul3A_45 = arith.constant 2.880000e+02 : f32
    %mul3A_46 = vector.broadcast %mul3A_45 : f32 to vector<16xf32>
    %mul3A_47 = arith.mulf %get3A_44, %mul3A_46 : vector<16xf32>
    %convert_element_type3A_48 = arith.fptosi %mul3A_47 : vector<16xf32> to vector<16xi32>
    %swap3A_49 = arith.constant 0 : i32
    %swap3A_50 = arith.index_cast %swap3A_49 : i32 to index
    %swap3A_51 = arith.constant 48 : index
    %swap3A_52 = tpu.vector_load %arg7[%swap3A_50, %swap3A_51] {strides = array<i32>} : memref<8x64xi32, #tpu.memory_space<vmem>>, vector<1x16xi32>,
    %swap3A_53 = vector.shape_cast %swap3A_52 : vector<1x16xi32> to vector<16xi32>
    %swap3A_54 = vector.shape_cast %convert_element_type3A_48 : vector<16xi32> to vector<1x16xi32>
    tpu.vector_store %arg7[%swap3A_50, %swap3A_51], %swap3A_54 {strides = array<i32>} : memref<8x64xi32, #tpu.memory_space<vmem>>, vector<1x16xi32>,
    %dma_start3A = arith.constant 0 : i32
    %dma_start3A_55 = arith.constant 0 : i32
    %dma_start3A_56 = arith.constant 0 : i32
    %dma_start3A_57 = tpu.memref_slice %arg8[%dma_start3A_55, %dma_start3A_56] : memref<64x128xf32, #tpu.memory_space<vmem>> -> memref<64x128xf32, #tpu.memory_space<vmem>>
    %dma_start3A_58 = arith.constant 0 : i32
    %dma_start3A_59 = tpu.memref_slice %arg7[%dma_start3A, %dma_start3A_58] : memref<8x64xi32, #tpu.memory_space<vmem>> -> memref<1x64xi32, #tpu.memory_space<vmem>>
    %dma_start3A_60 = tpu.memref_squeeze %dma_start3A_59 : memref<1x64xi32, #tpu.memory_space<vmem>> -> memref<64xi32, #tpu.memory_space<vmem>>
    %dma_start3A_61 = arith.constant 0 : i32
    %dma_start3A_62 = arith.constant 0 : i32
    %dma_start3A_63 = tpu.memref_slice %arg5[%dma_start3A_61, %dma_start3A_62] : memref<288x128xf32, #tpu.memory_space<vmem_shared>> -> memref<288x128xf32, #tpu.memory_space<vmem_shared>>
    tpu.enqueue_indirect_dma source(%dma_start3A_63 : memref<288x128xf32, #tpu.memory_space<vmem_shared>>) target(%dma_start3A_57 : memref<64x128xf32, #tpu.memory_space<vmem>>) offsets(%dma_start3A_60 : memref<64xi32, #tpu.memory_space<vmem>>) semaphore(%arg16 : memref<!tpu.dma_semaphore, #tpu.memory_space<semaphore_mem>>)
    %get3A_64 = arith.constant 64 : index
    %get3A_65 = tpu.vector_load %arg6[%get3A_64] {strides = array<i32>} : memref<25600xf32, #tpu.memory_space<vmem>>, vector<16xf32>,
    %get3A_66 = vector.shape_cast %get3A_65 : vector<16xf32> to vector<16xf32>
    %mul3A_67 = arith.constant 2.880000e+02 : f32
    %mul3A_68 = vector.broadcast %mul3A_67 : f32 to vector<16xf32>
    %mul3A_69 = arith.mulf %get3A_66, %mul3A_68 : vector<16xf32>
    %convert_element_type3A_70 = arith.fptosi %mul3A_69 : vector<16xf32> to vector<16xi32>
    %swap3A_71 = arith.constant 1 : i32
    %swap3A_72 = arith.index_cast %swap3A_71 : i32 to index
    %swap3A_73 = arith.constant 0 : index
    %swap3A_74 = tpu.vector_load %arg7[%swap3A_72, %swap3A_73] {strides = array<i32>} : memref<8x64xi32, #tpu.memory_space<vmem>>, vector<1x16xi32>,
    %swap3A_75 = vector.shape_cast %swap3A_74 : vector<1x16xi32> to vector<16xi32>
    %swap3A_76 = vector.shape_cast %convert_element_type3A_70 : vector<16xi32> to vector<1x16xi32>
    tpu.vector_store %arg7[%swap3A_72, %swap3A_73], %swap3A_76 {strides = array<i32>} : memref<8x64xi32, #tpu.memory_space<vmem>>, vector<1x16xi32>,
    %get3A_77 = arith.constant 80 : index
    %get3A_78 = tpu.vector_load %arg6[%get3A_77] {strides = array<i32>} : memref<25600xf32, #tpu.memory_space<vmem>>, vector<16xf32>,
    %get3A_79 = vector.shape_cast %get3A_78 : vector<16xf32> to vector<16xf32>
    %mul3A_80 = arith.constant 2.880000e+02 : f32
    %mul3A_81 = vector.broadcast %mul3A_80 : f32 to vector<16xf32>
    %mul3A_82 = arith.mulf %get3A_79, %mul3A_81 : vector<16xf32>
    %convert_element_type3A_83 = arith.fptosi %mul3A_82 : vector<16xf32> to vector<16xi32>
    %swap3A_84 = arith.constant 1 : i32
    %swap3A_85 = arith.index_cast %swap3A_84 : i32 to index
    %swap3A_86 = arith.constant 16 : index
    %swap3A_87 = tpu.vector_load %arg7[%swap3A_85, %swap3A_86] {strides = array<i32>} : memref<8x64xi32, #tpu.memory_space<vmem>>, vector<1x16xi32>,
    %swap3A_88 = vector.shape_cast %swap3A_87 : vector<1x16xi32> to vector<16xi32>
    %swap3A_89 = vector.shape_cast %convert_element_type3A_83 : vector<16xi32> to vector<1x16xi32>
    tpu.vector_store %arg7[%swap3A_85, %swap3A_86], %swap3A_89 {strides = array<i32>} : memref<8x64xi32, #tpu.memory_space<vmem>>, vector<1x16xi32>,
    %get3A_90 = arith.constant 96 : index
    %get3A_91 = tpu.vector_load %arg6[%get3A_90] {strides = array<i32>} : memref<25600xf32, #tpu.memory_space<vmem>>, vector<16xf32>,
    %get3A_92 = vector.shape_cast %get3A_91 : vector<16xf32> to vector<16xf32>
    %mul3A_93 = arith.constant 2.880000e+02 : f32
    %mul3A_94 = vector.broadcast %mul3A_93 : f32 to vector<16xf32>
    %mul3A_95 = arith.mulf %get3A_92, %mul3A_94 : vector<16xf32>
    %convert_element_type3A_96 = arith.fptosi %mul3A_95 : vector<16xf32> to vector<16xi32>
    %swap3A_97 = arith.constant 1 : i32
    %swap3A_98 = arith.index_cast %swap3A_97 : i32 to index
    %swap3A_99 = arith.constant 32 : index
    %swap3A_100 = tpu.vector_load %arg7[%swap3A_98, %swap3A_99] {strides = array<i32>} : memref<8x64xi32, #tpu.memory_space<vmem>>, vector<1x16xi32>,
    %swap3A_101 = vector.shape_cast %swap3A_100 : vector<1x16xi32> to vector<16xi32>
    %swap3A_102 = vector.shape_cast %convert_element_type3A_96 : vector<16xi32> to vector<1x16xi32>
    tpu.vector_store %arg7[%swap3A_98, %swap3A_99], %swap3A_102 {strides = array<i32>} : memref<8x64xi32, #tpu.memory_space<vmem>>, vector<1x16xi32>,
    %get3A_103 = arith.constant 112 : index
    %get3A_104 = tpu.vector_load %arg6[%get3A_103] {strides = array<i32>} : memref<25600xf32, #tpu.memory_space<vmem>>, vector<16xf32>,
    %get3A_105 = vector.shape_cast %get3A_104 : vector<16xf32> to vector<16xf32>
    %mul3A_106 = arith.constant 2.880000e+02 : f32
    %mul3A_107 = vector.broadcast %mul3A_106 : f32 to vector<16xf32>
    %mul3A_108 = arith.mulf %get3A_105, %mul3A_107 : vector<16xf32>
    %convert_element_type3A_109 = arith.fptosi %mul3A_108 : vector<16xf32> to vector<16xi32>
    %swap3A_110 = arith.constant 1 : i32
    %swap3A_111 = arith.index_cast %swap3A_110 : i32 to index
    %swap3A_112 = arith.constant 48 : index
    %swap3A_113 = tpu.vector_load %arg7[%swap3A_111, %swap3A_112] {strides = array<i32>} : memref<8x64xi32, #tpu.memory_space<vmem>>, vector<1x16xi32>,
    %swap3A_114 = vector.shape_cast %swap3A_113 : vector<1x16xi32> to vector<16xi32>
    %swap3A_115 = vector.shape_cast %convert_element_type3A_109 : vector<16xi32> to vector<1x16xi32>
    tpu.vector_store %arg7[%swap3A_111, %swap3A_112], %swap3A_115 {strides = array<i32>} : memref<8x64xi32, #tpu.memory_space<vmem>>, vector<1x16xi32>,
    %dma_start3A_116 = arith.constant 1 : i32
    %dma_start3A_117 = arith.constant 0 : i32
    %dma_start3A_118 = arith.constant 0 : i32
    %dma_start3A_119 = tpu.memref_slice %arg9[%dma_start3A_117, %dma_start3A_118] : memref<64x128xf32, #tpu.memory_space<vmem>> -> memref<64x128xf32, #tpu.memory_space<vmem>>
    %dma_start3A_120 = arith.constant 0 : i32
    %dma_start3A_121 = tpu.memref_slice %arg7[%dma_start3A_116, %dma_start3A_120] : memref<8x64xi32, #tpu.memory_space<vmem>> -> memref<1x64xi32, #tpu.memory_space<vmem>>
    %dma_start3A_122 = tpu.memref_squeeze %dma_start3A_121 : memref<1x64xi32, #tpu.memory_space<vmem>> -> memref<64xi32, #tpu.memory_space<vmem>>
    %dma_start3A_123 = arith.constant 0 : i32
    %dma_start3A_124 = arith.constant 0 : i32
    %dma_start3A_125 = tpu.memref_slice %arg5[%dma_start3A_123, %dma_start3A_124] : memref<288x128xf32, #tpu.memory_space<vmem_shared>> -> memref<288x128xf32, #tpu.memory_space<vmem_shared>>
    tpu.enqueue_indirect_dma source(%dma_start3A_125 : memref<288x128xf32, #tpu.memory_space<vmem_shared>>) target(%dma_start3A_119 : memref<64x128xf32, #tpu.memory_space<vmem>>) offsets(%dma_start3A_122 : memref<64xi32, #tpu.memory_space<vmem>>) semaphore(%arg17 : memref<!tpu.dma_semaphore, #tpu.memory_space<semaphore_mem>>)
    %get3A_126 = arith.constant 128 : index
    %get3A_127 = tpu.vector_load %arg6[%get3A_126] {strides = array<i32>} : memref<25600xf32, #tpu.memory_space<vmem>>, vector<16xf32>,
    %get3A_128 = vector.shape_cast %get3A_127 : vector<16xf32> to vector<16xf32>
    %mul3A_129 = arith.constant 2.880000e+02 : f32
    %mul3A_130 = vector.broadcast %mul3A_129 : f32 to vector<16xf32>
    %mul3A_131 = arith.mulf %get3A_128, %mul3A_130 : vector<16xf32>
    %convert_element_type3A_132 = arith.fptosi %mul3A_131 : vector<16xf32> to vector<16xi32>
    %swap3A_133 = arith.constant 2 : i32
    %swap3A_134 = arith.index_cast %swap3A_133 : i32 to index
    %swap3A_135 = arith.constant 0 : index
    %swap3A_136 = tpu.vector_load %arg7[%swap3A_134, %swap3A_135] {strides = array<i32>} : memref<8x64xi32, #tpu.memory_space<vmem>>, vector<1x16xi32>,
    %swap3A_137 = vector.shape_cast %swap3A_136 : vector<1x16xi32> to vector<16xi32>
    %swap3A_138 = vector.shape_cast %convert_element_type3A_132 : vector<16xi32> to vector<1x16xi32>
    tpu.vector_store %arg7[%swap3A_134, %swap3A_135], %swap3A_138 {strides = array<i32>} : memref<8x64xi32, #tpu.memory_space<vmem>>, vector<1x16xi32>,
    %get3A_139 = arith.constant 144 : index
    %get3A_140 = tpu.vector_load %arg6[%get3A_139] {strides = array<i32>} : memref<25600xf32, #tpu.memory_space<vmem>>, vector<16xf32>,
    %get3A_141 = vector.shape_cast %get3A_140 : vector<16xf32> to vector<16xf32>
    %mul3A_142 = arith.constant 2.880000e+02 : f32
    %mul3A_143 = vector.broadcast %mul3A_142 : f32 to vector<16xf32>
    %mul3A_144 = arith.mulf %get3A_141, %mul3A_143 : vector<16xf32>
    %convert_element_type3A_145 = arith.fptosi %mul3A_144 : vector<16xf32> to vector<16xi32>
    %swap3A_146 = arith.constant 2 : i32
    %swap3A_147 = arith.index_cast %swap3A_146 : i32 to index
    %swap3A_148 = arith.constant 16 : index
    %swap3A_149 = tpu.vector_load %arg7[%swap3A_147, %swap3A_148] {strides = array<i32>} : memref<8x64xi32, #tpu.memory_space<vmem>>, vector<1x16xi32>,
    %swap3A_150 = vector.shape_cast %swap3A_149 : vector<1x16xi32> to vector<16xi32>
    %swap3A_151 = vector.shape_cast %convert_element_type3A_145 : vector<16xi32> to vector<1x16xi32>
    tpu.vector_store %arg7[%swap3A_147, %swap3A_148], %swap3A_151 {strides = array<i32>} : memref<8x64xi32, #tpu.memory_space<vmem>>, vector<1x16xi32>,
    %get3A_152 = arith.constant 160 : index
    %get3A_153 = tpu.vector_load %arg6[%get3A_152] {strides = array<i32>} : memref<25600xf32, #tpu.memory_space<vmem>>, vector<16xf32>,
    %get3A_154 = vector.shape_cast %get3A_153 : vector<16xf32> to vector<16xf32>
    %mul3A_155 = arith.constant 2.880000e+02 : f32
    %mul3A_156 = vector.broadcast %mul3A_155 : f32 to vector<16xf32>
    %mul3A_157 = arith.mulf %get3A_154, %mul3A_156 : vector<16xf32>
    %convert_element_type3A_158 = arith.fptosi %mul3A_157 : vector<16xf32> to vector<16xi32>
    %swap3A_159 = arith.constant 2 : i32
    %swap3A_160 = arith.index_cast %swap3A_159 : i32 to index
    %swap3A_161 = arith.constant 32 : index
    %swap3A_162 = tpu.vector_load %arg7[%swap3A_160, %swap3A_161] {strides = array<i32>} : memref<8x64xi32, #tpu.memory_space<vmem>>, vector<1x16xi32>,
    %swap3A_163 = vector.shape_cast %swap3A_162 : vector<1x16xi32> to vector<16xi32>
    %swap3A_164 = vector.shape_cast %convert_element_type3A_158 : vector<16xi32> to vector<1x16xi32>
    tpu.vector_store %arg7[%swap3A_160, %swap3A_161], %swap3A_164 {strides = array<i32>} : memref<8x64xi32, #tpu.memory_space<vmem>>, vector<1x16xi32>,
    %get3A_165 = arith.constant 176 : index
    %get3A_166 = tpu.vector_load %arg6[%get3A_165] {strides = array<i32>} : memref<25600xf32, #tpu.memory_space<vmem>>, vector<16xf32>,
    %get3A_167 = vector.shape_cast %get3A_166 : vector<16xf32> to vector<16xf32>
    %mul3A_168 = arith.constant 2.880000e+02 : f32
    %mul3A_169 = vector.broadcast %mul3A_168 : f32 to vector<16xf32>
    %mul3A_170 = arith.mulf %get3A_167, %mul3A_169 : vector<16xf32>
    %convert_element_type3A_171 = arith.fptosi %mul3A_170 : vector<16xf32> to vector<16xi32>
    %swap3A_172 = arith.constant 2 : i32
    %swap3A_173 = arith.index_cast %swap3A_172 : i32 to index
    %swap3A_174 = arith.constant 48 : index
    %swap3A_175 = tpu.vector_load %arg7[%swap3A_173, %swap3A_174] {strides = array<i32>} : memref<8x64xi32, #tpu.memory_space<vmem>>, vector<1x16xi32>,
    %swap3A_176 = vector.shape_cast %swap3A_175 : vector<1x16xi32> to vector<16xi32>
    %swap3A_177 = vector.shape_cast %convert_element_type3A_171 : vector<16xi32> to vector<1x16xi32>
    tpu.vector_store %arg7[%swap3A_173, %swap3A_174], %swap3A_177 {strides = array<i32>} : memref<8x64xi32, #tpu.memory_space<vmem>>, vector<1x16xi32>,
    %dma_start3A_178 = arith.constant 2 : i32
    %dma_start3A_179 = arith.constant 0 : i32
    %dma_start3A_180 = arith.constant 0 : i32
    %dma_start3A_181 = tpu.memref_slice %arg10[%dma_start3A_179, %dma_start3A_180] : memref<64x128xf32, #tpu.memory_space<vmem>> -> memref<64x128xf32, #tpu.memory_space<vmem>>
    %dma_start3A_182 = arith.constant 0 : i32
    %dma_start3A_183 = tpu.memref_slice %arg7[%dma_start3A_178, %dma_start3A_182] : memref<8x64xi32, #tpu.memory_space<vmem>> -> memref<1x64xi32, #tpu.memory_space<vmem>>
    %dma_start3A_184 = tpu.memref_squeeze %dma_start3A_183 : memref<1x64xi32, #tpu.memory_space<vmem>> -> memref<64xi32, #tpu.memory_space<vmem>>
    %dma_start3A_185 = arith.constant 0 : i32
    %dma_start3A_186 = arith.constant 0 : i32
    %dma_start3A_187 = tpu.memref_slice %arg5[%dma_start3A_185, %dma_start3A_186] : memref<288x128xf32, #tpu.memory_space<vmem_shared>> -> memref<288x128xf32, #tpu.memory_space<vmem_shared>>
    tpu.enqueue_indirect_dma source(%dma_start3A_187 : memref<288x128xf32, #tpu.memory_space<vmem_shared>>) target(%dma_start3A_181 : memref<64x128xf32, #tpu.memory_space<vmem>>) offsets(%dma_start3A_184 : memref<64xi32, #tpu.memory_space<vmem>>) semaphore(%arg18 : memref<!tpu.dma_semaphore, #tpu.memory_space<semaphore_mem>>)
    %get3A_188 = arith.constant 192 : index
    %get3A_189 = tpu.vector_load %arg6[%get3A_188] {strides = array<i32>} : memref<25600xf32, #tpu.memory_space<vmem>>, vector<16xf32>,
    %get3A_190 = vector.shape_cast %get3A_189 : vector<16xf32> to vector<16xf32>
    %mul3A_191 = arith.constant 2.880000e+02 : f32
    %mul3A_192 = vector.broadcast %mul3A_191 : f32 to vector<16xf32>
    %mul3A_193 = arith.mulf %get3A_190, %mul3A_192 : vector<16xf32>
    %convert_element_type3A_194 = arith.fptosi %mul3A_193 : vector<16xf32> to vector<16xi32>
    %swap3A_195 = arith.constant 3 : i32
    %swap3A_196 = arith.index_cast %swap3A_195 : i32 to index
    %swap3A_197 = arith.constant 0 : index
    %swap3A_198 = tpu.vector_load %arg7[%swap3A_196, %swap3A_197] {strides = array<i32>} : memref<8x64xi32, #tpu.memory_space<vmem>>, vector<1x16xi32>,
    %swap3A_199 = vector.shape_cast %swap3A_198 : vector<1x16xi32> to vector<16xi32>
    %swap3A_200 = vector.shape_cast %convert_element_type3A_194 : vector<16xi32> to vector<1x16xi32>
    tpu.vector_store %arg7[%swap3A_196, %swap3A_197], %swap3A_200 {strides = array<i32>} : memref<8x64xi32, #tpu.memory_space<vmem>>, vector<1x16xi32>,
    %get3A_201 = arith.constant 208 : index
    %get3A_202 = tpu.vector_load %arg6[%get3A_201] {strides = array<i32>} : memref<25600xf32, #tpu.memory_space<vmem>>, vector<16xf32>,
    %get3A_203 = vector.shape_cast %get3A_202 : vector<16xf32> to vector<16xf32>
    %mul3A_204 = arith.constant 2.880000e+02 : f32
    %mul3A_205 = vector.broadcast %mul3A_204 : f32 to vector<16xf32>
    %mul3A_206 = arith.mulf %get3A_203, %mul3A_205 : vector<16xf32>
    %convert_element_type3A_207 = arith.fptosi %mul3A_206 : vector<16xf32> to vector<16xi32>
    %swap3A_208 = arith.constant 3 : i32
    %swap3A_209 = arith.index_cast %swap3A_208 : i32 to index
    %swap3A_210 = arith.constant 16 : index
    %swap3A_211 = tpu.vector_load %arg7[%swap3A_209, %swap3A_210] {strides = array<i32>} : memref<8x64xi32, #tpu.memory_space<vmem>>, vector<1x16xi32>,
    %swap3A_212 = vector.shape_cast %swap3A_211 : vector<1x16xi32> to vector<16xi32>
    %swap3A_213 = vector.shape_cast %convert_element_type3A_207 : vector<16xi32> to vector<1x16xi32>
    tpu.vector_store %arg7[%swap3A_209, %swap3A_210], %swap3A_213 {strides = array<i32>} : memref<8x64xi32, #tpu.memory_space<vmem>>, vector<1x16xi32>,
    %get3A_214 = arith.constant 224 : index
    %get3A_215 = tpu.vector_load %arg6[%get3A_214] {strides = array<i32>} : memref<25600xf32, #tpu.memory_space<vmem>>, vector<16xf32>,
    %get3A_216 = vector.shape_cast %get3A_215 : vector<16xf32> to vector<16xf32>
    %mul3A_217 = arith.constant 2.880000e+02 : f32
    %mul3A_218 = vector.broadcast %mul3A_217 : f32 to vector<16xf32>
    %mul3A_219 = arith.mulf %get3A_216, %mul3A_218 : vector<16xf32>
    %convert_element_type3A_220 = arith.fptosi %mul3A_219 : vector<16xf32> to vector<16xi32>
    %swap3A_221 = arith.constant 3 : i32
    %swap3A_222 = arith.index_cast %swap3A_221 : i32 to index
    %swap3A_223 = arith.constant 32 : index
    %swap3A_224 = tpu.vector_load %arg7[%swap3A_222, %swap3A_223] {strides = array<i32>} : memref<8x64xi32, #tpu.memory_space<vmem>>, vector<1x16xi32>,
    %swap3A_225 = vector.shape_cast %swap3A_224 : vector<1x16xi32> to vector<16xi32>
    %swap3A_226 = vector.shape_cast %convert_element_type3A_220 : vector<16xi32> to vector<1x16xi32>
    tpu.vector_store %arg7[%swap3A_222, %swap3A_223], %swap3A_226 {strides = array<i32>} : memref<8x64xi32, #tpu.memory_space<vmem>>, vector<1x16xi32>,
    %get3A_227 = arith.constant 240 : index
    %get3A_228 = tpu.vector_load %arg6[%get3A_227] {strides = array<i32>} : memref<25600xf32, #tpu.memory_space<vmem>>, vector<16xf32>,
    %get3A_229 = vector.shape_cast %get3A_228 : vector<16xf32> to vector<16xf32>
    %mul3A_230 = arith.constant 2.880000e+02 : f32
    %mul3A_231 = vector.broadcast %mul3A_230 : f32 to vector<16xf32>
    %mul3A_232 = arith.mulf %get3A_229, %mul3A_231 : vector<16xf32>
    %convert_element_type3A_233 = arith.fptosi %mul3A_232 : vector<16xf32> to vector<16xi32>
    %swap3A_234 = arith.constant 3 : i32
    %swap3A_235 = arith.index_cast %swap3A_234 : i32 to index
    %swap3A_236 = arith.constant 48 : index
    %swap3A_237 = tpu.vector_load %arg7[%swap3A_235, %swap3A_236] {strides = array<i32>} : memref<8x64xi32, #tpu.memory_space<vmem>>, vector<1x16xi32>,
    %swap3A_238 = vector.shape_cast %swap3A_237 : vector<1x16xi32> to vector<16xi32>
    %swap3A_239 = vector.shape_cast %convert_element_type3A_233 : vector<16xi32> to vector<1x16xi32>
    tpu.vector_store %arg7[%swap3A_235, %swap3A_236], %swap3A_239 {strides = array<i32>} : memref<8x64xi32, #tpu.memory_space<vmem>>, vector<1x16xi32>,
    %dma_start3A_240 = arith.constant 3 : i32
    %dma_start3A_241 = arith.constant 0 : i32
    %dma_start3A_242 = arith.constant 0 : i32
    %dma_start3A_243 = tpu.memref_slice %arg11[%dma_start3A_241, %dma_start3A_242] : memref<64x128xf32, #tpu.memory_space<vmem>> -> memref<64x128xf32, #tpu.memory_space<vmem>>
    %dma_start3A_244 = arith.constant 0 : i32
    %dma_start3A_245 = tpu.memref_slice %arg7[%dma_start3A_240, %dma_start3A_244] : memref<8x64xi32, #tpu.memory_space<vmem>> -> memref<1x64xi32, #tpu.memory_space<vmem>>
    %dma_start3A_246 = tpu.memref_squeeze %dma_start3A_245 : memref<1x64xi32, #tpu.memory_space<vmem>> -> memref<64xi32, #tpu.memory_space<vmem>>
    %dma_start3A_247 = arith.constant 0 : i32
    %dma_start3A_248 = arith.constant 0 : i32
    %dma_start3A_249 = tpu.memref_slice %arg5[%dma_start3A_247, %dma_start3A_248] : memref<288x128xf32, #tpu.memory_space<vmem_shared>> -> memref<288x128xf32, #tpu.memory_space<vmem_shared>>
    tpu.enqueue_indirect_dma source(%dma_start3A_249 : memref<288x128xf32, #tpu.memory_space<vmem_shared>>) target(%dma_start3A_243 : memref<64x128xf32, #tpu.memory_space<vmem>>) offsets(%dma_start3A_246 : memref<64xi32, #tpu.memory_space<vmem>>) semaphore(%arg19 : memref<!tpu.dma_semaphore, #tpu.memory_space<semaphore_mem>>)
    %get3A_250 = arith.constant 256 : index
    %get3A_251 = tpu.vector_load %arg6[%get3A_250] {strides = array<i32>} : memref<25600xf32, #tpu.memory_space<vmem>>, vector<16xf32>,
    %get3A_252 = vector.shape_cast %get3A_251 : vector<16xf32> to vector<16xf32>
    %mul3A_253 = arith.constant 2.880000e+02 : f32
    %mul3A_254 = vector.broadcast %mul3A_253 : f32 to vector<16xf32>
    %mul3A_255 = arith.mulf %get3A_252, %mul3A_254 : vector<16xf32>
    %convert_element_type3A_256 = arith.fptosi %mul3A_255 : vector<16xf32> to vector<16xi32>
    %swap3A_257 = arith.constant 4 : i32
    %swap3A_258 = arith.index_cast %swap3A_257 : i32 to index
    %swap3A_259 = arith.constant 0 : index
    %swap3A_260 = tpu.vector_load %arg7[%swap3A_258, %swap3A_259] {strides = array<i32>} : memref<8x64xi32, #tpu.memory_space<vmem>>, vector<1x16xi32>,
    %swap3A_261 = vector.shape_cast %swap3A_260 : vector<1x16xi32> to vector<16xi32>
    %swap3A_262 = vector.shape_cast %convert_element_type3A_256 : vector<16xi32> to vector<1x16xi32>
    tpu.vector_store %arg7[%swap3A_258, %swap3A_259], %swap3A_262 {strides = array<i32>} : memref<8x64xi32, #tpu.memory_space<vmem>>, vector<1x16xi32>,
    %get3A_263 = arith.constant 272 : index
    %get3A_264 = tpu.vector_load %arg6[%get3A_263] {strides = array<i32>} : memref<25600xf32, #tpu.memory_space<vmem>>, vector<16xf32>,
    %get3A_265 = vector.shape_cast %get3A_264 : vector<16xf32> to vector<16xf32>
    %mul3A_266 = arith.constant 2.880000e+02 : f32
    %mul3A_267 = vector.broadcast %mul3A_266 : f32 to vector<16xf32>
    %mul3A_268 = arith.mulf %get3A_265, %mul3A_267 : vector<16xf32>
    %convert_element_type3A_269 = arith.fptosi %mul3A_268 : vector<16xf32> to vector<16xi32>
    %swap3A_270 = arith.constant 4 : i32
    %swap3A_271 = arith.index_cast %swap3A_270 : i32 to index
    %swap3A_272 = arith.constant 16 : index
    %swap3A_273 = tpu.vector_load %arg7[%swap3A_271, %swap3A_272] {strides = array<i32>} : memref<8x64xi32, #tpu.memory_space<vmem>>, vector<1x16xi32>,
    %swap3A_274 = vector.shape_cast %swap3A_273 : vector<1x16xi32> to vector<16xi32>
    %swap3A_275 = vector.shape_cast %convert_element_type3A_269 : vector<16xi32> to vector<1x16xi32>
    tpu.vector_store %arg7[%swap3A_271, %swap3A_272], %swap3A_275 {strides = array<i32>} : memref<8x64xi32, #tpu.memory_space<vmem>>, vector<1x16xi32>,
    %get3A_276 = arith.constant 288 : index
    %get3A_277 = tpu.vector_load %arg6[%get3A_276] {strides = array<i32>} : memref<25600xf32, #tpu.memory_space<vmem>>, vector<16xf32>,
    %get3A_278 = vector.shape_cast %get3A_277 : vector<16xf32> to vector<16xf32>
    %mul3A_279 = arith.constant 2.880000e+02 : f32
    %mul3A_280 = vector.broadcast %mul3A_279 : f32 to vector<16xf32>
    %mul3A_281 = arith.mulf %get3A_278, %mul3A_280 : vector<16xf32>
    %convert_element_type3A_282 = arith.fptosi %mul3A_281 : vector<16xf32> to vector<16xi32>
    %swap3A_283 = arith.constant 4 : i32
    %swap3A_284 = arith.index_cast %swap3A_283 : i32 to index
    %swap3A_285 = arith.constant 32 : index
    %swap3A_286 = tpu.vector_load %arg7[%swap3A_284, %swap3A_285] {strides = array<i32>} : memref<8x64xi32, #tpu.memory_space<vmem>>, vector<1x16xi32>,
    %swap3A_287 = vector.shape_cast %swap3A_286 : vector<1x16xi32> to vector<16xi32>
    %swap3A_288 = vector.shape_cast %convert_element_type3A_282 : vector<16xi32> to vector<1x16xi32>
    tpu.vector_store %arg7[%swap3A_284, %swap3A_285], %swap3A_288 {strides = array<i32>} : memref<8x64xi32, #tpu.memory_space<vmem>>, vector<1x16xi32>,
    %get3A_289 = arith.constant 304 : index
    %get3A_290 = tpu.vector_load %arg6[%get3A_289] {strides = array<i32>} : memref<25600xf32, #tpu.memory_space<vmem>>, vector<16xf32>,
    %get3A_291 = vector.shape_cast %get3A_290 : vector<16xf32> to vector<16xf32>
    %mul3A_292 = arith.constant 2.880000e+02 : f32
    %mul3A_293 = vector.broadcast %mul3A_292 : f32 to vector<16xf32>
    %mul3A_294 = arith.mulf %get3A_291, %mul3A_293 : vector<16xf32>
    %convert_element_type3A_295 = arith.fptosi %mul3A_294 : vector<16xf32> to vector<16xi32>
    %swap3A_296 = arith.constant 4 : i32
    %swap3A_297 = arith.index_cast %swap3A_296 : i32 to index
    %swap3A_298 = arith.constant 48 : index
    %swap3A_299 = tpu.vector_load %arg7[%swap3A_297, %swap3A_298] {strides = array<i32>} : memref<8x64xi32, #tpu.memory_space<vmem>>, vector<1x16xi32>,
    %swap3A_300 = vector.shape_cast %swap3A_299 : vector<1x16xi32> to vector<16xi32>
    %swap3A_301 = vector.shape_cast %convert_element_type3A_295 : vector<16xi32> to vector<1x16xi32>
    tpu.vector_store %arg7[%swap3A_297, %swap3A_298], %swap3A_301 {strides = array<i32>} : memref<8x64xi32, #tpu.memory_space<vmem>>, vector<1x16xi32>,
    %dma_start3A_302 = arith.constant 4 : i32
    %dma_start3A_303 = arith.constant 0 : i32
    %dma_start3A_304 = arith.constant 0 : i32
    %dma_start3A_305 = tpu.memref_slice %arg12[%dma_start3A_303, %dma_start3A_304] : memref<64x128xf32, #tpu.memory_space<vmem>> -> memref<64x128xf32, #tpu.memory_space<vmem>>
    %dma_start3A_306 = arith.constant 0 : i32
    %dma_start3A_307 = tpu.memref_slice %arg7[%dma_start3A_302, %dma_start3A_306] : memref<8x64xi32, #tpu.memory_space<vmem>> -> memref<1x64xi32, #tpu.memory_space<vmem>>
    %dma_start3A_308 = tpu.memref_squeeze %dma_start3A_307 : memref<1x64xi32, #tpu.memory_space<vmem>> -> memref<64xi32, #tpu.memory_space<vmem>>
    %dma_start3A_309 = arith.constant 0 : i32
    %dma_start3A_310 = arith.constant 0 : i32
    %dma_start3A_311 = tpu.memref_slice %arg5[%dma_start3A_309, %dma_start3A_310] : memref<288x128xf32, #tpu.memory_space<vmem_shared>> -> memref<288x128xf32, #tpu.memory_space<vmem_shared>>
    tpu.enqueue_indirect_dma source(%dma_start3A_311 : memref<288x128xf32, #tpu.memory_space<vmem_shared>>) target(%dma_start3A_305 : memref<64x128xf32, #tpu.memory_space<vmem>>) offsets(%dma_start3A_308 : memref<64xi32, #tpu.memory_space<vmem>>) semaphore(%arg20 : memref<!tpu.dma_semaphore, #tpu.memory_space<semaphore_mem>>)
    %get3A_312 = arith.constant 320 : index
    %get3A_313 = tpu.vector_load %arg6[%get3A_312] {strides = array<i32>} : memref<25600xf32, #tpu.memory_space<vmem>>, vector<16xf32>,
    %get3A_314 = vector.shape_cast %get3A_313 : vector<16xf32> to vector<16xf32>
    %mul3A_315 = arith.constant 2.880000e+02 : f32
    %mul3A_316 = vector.broadcast %mul3A_315 : f32 to vector<16xf32>
    %mul3A_317 = arith.mulf %get3A_314, %mul3A_316 : vector<16xf32>
    %convert_element_type3A_318 = arith.fptosi %mul3A_317 : vector<16xf32> to vector<16xi32>
    %swap3A_319 = arith.constant 5 : i32
    %swap3A_320 = arith.index_cast %swap3A_319 : i32 to index
    %swap3A_321 = arith.constant 0 : index
    %swap3A_322 = tpu.vector_load %arg7[%swap3A_320, %swap3A_321] {strides = array<i32>} : memref<8x64xi32, #tpu.memory_space<vmem>>, vector<1x16xi32>,
    %swap3A_323 = vector.shape_cast %swap3A_322 : vector<1x16xi32> to vector<16xi32>
    %swap3A_324 = vector.shape_cast %convert_element_type3A_318 : vector<16xi32> to vector<1x16xi32>
    tpu.vector_store %arg7[%swap3A_320, %swap3A_321], %swap3A_324 {strides = array<i32>} : memref<8x64xi32, #tpu.memory_space<vmem>>, vector<1x16xi32>,
    %get3A_325 = arith.constant 336 : index
    %get3A_326 = tpu.vector_load %arg6[%get3A_325] {strides = array<i32>} : memref<25600xf32, #tpu.memory_space<vmem>>, vector<16xf32>,
    %get3A_327 = vector.shape_cast %get3A_326 : vector<16xf32> to vector<16xf32>
    %mul3A_328 = arith.constant 2.880000e+02 : f32
    %mul3A_329 = vector.broadcast %mul3A_328 : f32 to vector<16xf32>
    %mul3A_330 = arith.mulf %get3A_327, %mul3A_329 : vector<16xf32>
    %convert_element_type3A_331 = arith.fptosi %mul3A_330 : vector<16xf32> to vector<16xi32>
    %swap3A_332 = arith.constant 5 : i32
    %swap3A_333 = arith.index_cast %swap3A_332 : i32 to index
    %swap3A_334 = arith.constant 16 : index
    %swap3A_335 = tpu.vector_load %arg7[%swap3A_333, %swap3A_334] {strides = array<i32>} : memref<8x64xi32, #tpu.memory_space<vmem>>, vector<1x16xi32>,
    %swap3A_336 = vector.shape_cast %swap3A_335 : vector<1x16xi32> to vector<16xi32>
    %swap3A_337 = vector.shape_cast %convert_element_type3A_331 : vector<16xi32> to vector<1x16xi32>
    tpu.vector_store %arg7[%swap3A_333, %swap3A_334], %swap3A_337 {strides = array<i32>} : memref<8x64xi32, #tpu.memory_space<vmem>>, vector<1x16xi32>,
    %get3A_338 = arith.constant 352 : index
    %get3A_339 = tpu.vector_load %arg6[%get3A_338] {strides = array<i32>} : memref<25600xf32, #tpu.memory_space<vmem>>, vector<16xf32>,
    %get3A_340 = vector.shape_cast %get3A_339 : vector<16xf32> to vector<16xf32>
    %mul3A_341 = arith.constant 2.880000e+02 : f32
    %mul3A_342 = vector.broadcast %mul3A_341 : f32 to vector<16xf32>
    %mul3A_343 = arith.mulf %get3A_340, %mul3A_342 : vector<16xf32>
    %convert_element_type3A_344 = arith.fptosi %mul3A_343 : vector<16xf32> to vector<16xi32>
    %swap3A_345 = arith.constant 5 : i32
    %swap3A_346 = arith.index_cast %swap3A_345 : i32 to index
    %swap3A_347 = arith.constant 32 : index
    %swap3A_348 = tpu.vector_load %arg7[%swap3A_346, %swap3A_347] {strides = array<i32>} : memref<8x64xi32, #tpu.memory_space<vmem>>, vector<1x16xi32>,
    %swap3A_349 = vector.shape_cast %swap3A_348 : vector<1x16xi32> to vector<16xi32>
    %swap3A_350 = vector.shape_cast %convert_element_type3A_344 : vector<16xi32> to vector<1x16xi32>
    tpu.vector_store %arg7[%swap3A_346, %swap3A_347], %swap3A_350 {strides = array<i32>} : memref<8x64xi32, #tpu.memory_space<vmem>>, vector<1x16xi32>,
    %get3A_351 = arith.constant 368 : index
    %get3A_352 = tpu.vector_load %arg6[%get3A_351] {strides = array<i32>} : memref<25600xf32, #tpu.memory_space<vmem>>, vector<16xf32>,
    %get3A_353 = vector.shape_cast %get3A_352 : vector<16xf32> to vector<16xf32>
    %mul3A_354 = arith.constant 2.880000e+02 : f32
    %mul3A_355 = vector.broadcast %mul3A_354 : f32 to vector<16xf32>
    %mul3A_356 = arith.mulf %get3A_353, %mul3A_355 : vector<16xf32>
    %convert_element_type3A_357 = arith.fptosi %mul3A_356 : vector<16xf32> to vector<16xi32>
    %swap3A_358 = arith.constant 5 : i32
    %swap3A_359 = arith.index_cast %swap3A_358 : i32 to index
    %swap3A_360 = arith.constant 48 : index
    %swap3A_361 = tpu.vector_load %arg7[%swap3A_359, %swap3A_360] {strides = array<i32>} : memref<8x64xi32, #tpu.memory_space<vmem>>, vector<1x16xi32>,
    %swap3A_362 = vector.shape_cast %swap3A_361 : vector<1x16xi32> to vector<16xi32>
    %swap3A_363 = vector.shape_cast %convert_element_type3A_357 : vector<16xi32> to vector<1x16xi32>
    tpu.vector_store %arg7[%swap3A_359, %swap3A_360], %swap3A_363 {strides = array<i32>} : memref<8x64xi32, #tpu.memory_space<vmem>>, vector<1x16xi32>,
    %dma_start3A_364 = arith.constant 5 : i32
    %dma_start3A_365 = arith.constant 0 : i32
    %dma_start3A_366 = arith.constant 0 : i32
    %dma_start3A_367 = tpu.memref_slice %arg13[%dma_start3A_365, %dma_start3A_366] : memref<64x128xf32, #tpu.memory_space<vmem>> -> memref<64x128xf32, #tpu.memory_space<vmem>>
    %dma_start3A_368 = arith.constant 0 : i32
    %dma_start3A_369 = tpu.memref_slice %arg7[%dma_start3A_364, %dma_start3A_368] : memref<8x64xi32, #tpu.memory_space<vmem>> -> memref<1x64xi32, #tpu.memory_space<vmem>>
    %dma_start3A_370 = tpu.memref_squeeze %dma_start3A_369 : memref<1x64xi32, #tpu.memory_space<vmem>> -> memref<64xi32, #tpu.memory_space<vmem>>
    %dma_start3A_371 = arith.constant 0 : i32
    %dma_start3A_372 = arith.constant 0 : i32
    %dma_start3A_373 = tpu.memref_slice %arg5[%dma_start3A_371, %dma_start3A_372] : memref<288x128xf32, #tpu.memory_space<vmem_shared>> -> memref<288x128xf32, #tpu.memory_space<vmem_shared>>
    tpu.enqueue_indirect_dma source(%dma_start3A_373 : memref<288x128xf32, #tpu.memory_space<vmem_shared>>) target(%dma_start3A_367 : memref<64x128xf32, #tpu.memory_space<vmem>>) offsets(%dma_start3A_370 : memref<64xi32, #tpu.memory_space<vmem>>) semaphore(%arg21 : memref<!tpu.dma_semaphore, #tpu.memory_space<semaphore_mem>>)
    %get3A_374 = arith.constant 384 : index
    %get3A_375 = tpu.vector_load %arg6[%get3A_374] {strides = array<i32>} : memref<25600xf32, #tpu.memory_space<vmem>>, vector<16xf32>,
    %get3A_376 = vector.shape_cast %get3A_375 : vector<16xf32> to vector<16xf32>
    %mul3A_377 = arith.constant 2.880000e+02 : f32
    %mul3A_378 = vector.broadcast %mul3A_377 : f32 to vector<16xf32>
    %mul3A_379 = arith.mulf %get3A_376, %mul3A_378 : vector<16xf32>
    %convert_element_type3A_380 = arith.fptosi %mul3A_379 : vector<16xf32> to vector<16xi32>
    %swap3A_381 = arith.constant 6 : i32
    %swap3A_382 = arith.index_cast %swap3A_381 : i32 to index
    %swap3A_383 = arith.constant 0 : index
    %swap3A_384 = tpu.vector_load %arg7[%swap3A_382, %swap3A_383] {strides = array<i32>} : memref<8x64xi32, #tpu.memory_space<vmem>>, vector<1x16xi32>,
    %swap3A_385 = vector.shape_cast %swap3A_384 : vector<1x16xi32> to vector<16xi32>
    %swap3A_386 = vector.shape_cast %convert_element_type3A_380 : vector<16xi32> to vector<1x16xi32>
    tpu.vector_store %arg7[%swap3A_382, %swap3A_383], %swap3A_386 {strides = array<i32>} : memref<8x64xi32, #tpu.memory_space<vmem>>, vector<1x16xi32>,
    %get3A_387 = arith.constant 400 : index
    %get3A_388 = tpu.vector_load %arg6[%get3A_387] {strides = array<i32>} : memref<25600xf32, #tpu.memory_space<vmem>>, vector<16xf32>,
    %get3A_389 = vector.shape_cast %get3A_388 : vector<16xf32> to vector<16xf32>
    %mul3A_390 = arith.constant 2.880000e+02 : f32
    %mul3A_391 = vector.broadcast %mul3A_390 : f32 to vector<16xf32>
    %mul3A_392 = arith.mulf %get3A_389, %mul3A_391 : vector<16xf32>
    %convert_element_type3A_393 = arith.fptosi %mul3A_392 : vector<16xf32> to vector<16xi32>
    %swap3A_394 = arith.constant 6 : i32
    %swap3A_395 = arith.index_cast %swap3A_394 : i32 to index
    %swap3A_396 = arith.constant 16 : index
    %swap3A_397 = tpu.vector_load %arg7[%swap3A_395, %swap3A_396] {strides = array<i32>} : memref<8x64xi32, #tpu.memory_space<vmem>>, vector<1x16xi32>,
    %swap3A_398 = vector.shape_cast %swap3A_397 : vector<1x16xi32> to vector<16xi32>
    %swap3A_399 = vector.shape_cast %convert_element_type3A_393 : vector<16xi32> to vector<1x16xi32>
    tpu.vector_store %arg7[%swap3A_395, %swap3A_396], %swap3A_399 {strides = array<i32>} : memref<8x64xi32, #tpu.memory_space<vmem>>, vector<1x16xi32>,
    %get3A_400 = arith.constant 416 : index
    %get3A_401 = tpu.vector_load %arg6[%get3A_400] {strides = array<i32>} : memref<25600xf32, #tpu.memory_space<vmem>>, vector<16xf32>,
    %get3A_402 = vector.shape_cast %get3A_401 : vector<16xf32> to vector<16xf32>
    %mul3A_403 = arith.constant 2.880000e+02 : f32
    %mul3A_404 = vector.broadcast %mul3A_403 : f32 to vector<16xf32>
    %mul3A_405 = arith.mulf %get3A_402, %mul3A_404 : vector<16xf32>
    %convert_element_type3A_406 = arith.fptosi %mul3A_405 : vector<16xf32> to vector<16xi32>
    %swap3A_407 = arith.constant 6 : i32
    %swap3A_408 = arith.index_cast %swap3A_407 : i32 to index
    %swap3A_409 = arith.constant 32 : index
    %swap3A_410 = tpu.vector_load %arg7[%swap3A_408, %swap3A_409] {strides = array<i32>} : memref<8x64xi32, #tpu.memory_space<vmem>>, vector<1x16xi32>,
    %swap3A_411 = vector.shape_cast %swap3A_410 : vector<1x16xi32> to vector<16xi32>
    %swap3A_412 = vector.shape_cast %convert_element_type3A_406 : vector<16xi32> to vector<1x16xi32>
    tpu.vector_store %arg7[%swap3A_408, %swap3A_409], %swap3A_412 {strides = array<i32>} : memref<8x64xi32, #tpu.memory_space<vmem>>, vector<1x16xi32>,
    %get3A_413 = arith.constant 432 : index
    %get3A_414 = tpu.vector_load %arg6[%get3A_413] {strides = array<i32>} : memref<25600xf32, #tpu.memory_space<vmem>>, vector<16xf32>,
    %get3A_415 = vector.shape_cast %get3A_414 : vector<16xf32> to vector<16xf32>
    %mul3A_416 = arith.constant 2.880000e+02 : f32
    %mul3A_417 = vector.broadcast %mul3A_416 : f32 to vector<16xf32>
    %mul3A_418 = arith.mulf %get3A_415, %mul3A_417 : vector<16xf32>
    %convert_element_type3A_419 = arith.fptosi %mul3A_418 : vector<16xf32> to vector<16xi32>
    %swap3A_420 = arith.constant 6 : i32
    %swap3A_421 = arith.index_cast %swap3A_420 : i32 to index
    %swap3A_422 = arith.constant 48 : index
    %swap3A_423 = tpu.vector_load %arg7[%swap3A_421, %swap3A_422] {strides = array<i32>} : memref<8x64xi32, #tpu.memory_space<vmem>>, vector<1x16xi32>,
    %swap3A_424 = vector.shape_cast %swap3A_423 : vector<1x16xi32> to vector<16xi32>
    %swap3A_425 = vector.shape_cast %convert_element_type3A_419 : vector<16xi32> to vector<1x16xi32>
    tpu.vector_store %arg7[%swap3A_421, %swap3A_422], %swap3A_425 {strides = array<i32>} : memref<8x64xi32, #tpu.memory_space<vmem>>, vector<1x16xi32>,
    %dma_start3A_426 = arith.constant 6 : i32
    %dma_start3A_427 = arith.constant 0 : i32
    %dma_start3A_428 = arith.constant 0 : i32
    %dma_start3A_429 = tpu.memref_slice %arg14[%dma_start3A_427, %dma_start3A_428] : memref<64x128xf32, #tpu.memory_space<vmem>> -> memref<64x128xf32, #tpu.memory_space<vmem>>
    %dma_start3A_430 = arith.constant 0 : i32
    %dma_start3A_431 = tpu.memref_slice %arg7[%dma_start3A_426, %dma_start3A_430] : memref<8x64xi32, #tpu.memory_space<vmem>> -> memref<1x64xi32, #tpu.memory_space<vmem>>
    %dma_start3A_432 = tpu.memref_squeeze %dma_start3A_431 : memref<1x64xi32, #tpu.memory_space<vmem>> -> memref<64xi32, #tpu.memory_space<vmem>>
    %dma_start3A_433 = arith.constant 0 : i32
    %dma_start3A_434 = arith.constant 0 : i32
    %dma_start3A_435 = tpu.memref_slice %arg5[%dma_start3A_433, %dma_start3A_434] : memref<288x128xf32, #tpu.memory_space<vmem_shared>> -> memref<288x128xf32, #tpu.memory_space<vmem_shared>>
    tpu.enqueue_indirect_dma source(%dma_start3A_435 : memref<288x128xf32, #tpu.memory_space<vmem_shared>>) target(%dma_start3A_429 : memref<64x128xf32, #tpu.memory_space<vmem>>) offsets(%dma_start3A_432 : memref<64xi32, #tpu.memory_space<vmem>>) semaphore(%arg22 : memref<!tpu.dma_semaphore, #tpu.memory_space<semaphore_mem>>)
    %get3A_436 = arith.constant 448 : index
    %get3A_437 = tpu.vector_load %arg6[%get3A_436] {strides = array<i32>} : memref<25600xf32, #tpu.memory_space<vmem>>, vector<16xf32>,
    %get3A_438 = vector.shape_cast %get3A_437 : vector<16xf32> to vector<16xf32>
    %mul3A_439 = arith.constant 2.880000e+02 : f32
    %mul3A_440 = vector.broadcast %mul3A_439 : f32 to vector<16xf32>
    %mul3A_441 = arith.mulf %get3A_438, %mul3A_440 : vector<16xf32>
    %convert_element_type3A_442 = arith.fptosi %mul3A_441 : vector<16xf32> to vector<16xi32>
    %swap3A_443 = arith.constant 7 : i32
    %swap3A_444 = arith.index_cast %swap3A_443 : i32 to index
    %swap3A_445 = arith.constant 0 : index
    %swap3A_446 = tpu.vector_load %arg7[%swap3A_444, %swap3A_445] {strides = array<i32>} : memref<8x64xi32, #tpu.memory_space<vmem>>, vector<1x16xi32>,
    %swap3A_447 = vector.shape_cast %swap3A_446 : vector<1x16xi32> to vector<16xi32>
    %swap3A_448 = vector.shape_cast %convert_element_type3A_442 : vector<16xi32> to vector<1x16xi32>
    tpu.vector_store %arg7[%swap3A_444, %swap3A_445], %swap3A_448 {strides = array<i32>} : memref<8x64xi32, #tpu.memory_space<vmem>>, vector<1x16xi32>,
    %get3A_449 = arith.constant 464 : index
    %get3A_450 = tpu.vector_load %arg6[%get3A_449] {strides = array<i32>} : memref<25600xf32, #tpu.memory_space<vmem>>, vector<16xf32>,
    %get3A_451 = vector.shape_cast %get3A_450 : vector<16xf32> to vector<16xf32>
    %mul3A_452 = arith.constant 2.880000e+02 : f32
    %mul3A_453 = vector.broadcast %mul3A_452 : f32 to vector<16xf32>
    %mul3A_454 = arith.mulf %get3A_451, %mul3A_453 : vector<16xf32>
    %convert_element_type3A_455 = arith.fptosi %mul3A_454 : vector<16xf32> to vector<16xi32>
    %swap3A_456 = arith.constant 7 : i32
    %swap3A_457 = arith.index_cast %swap3A_456 : i32 to index
    %swap3A_458 = arith.constant 16 : index
    %swap3A_459 = tpu.vector_load %arg7[%swap3A_457, %swap3A_458] {strides = array<i32>} : memref<8x64xi32, #tpu.memory_space<vmem>>, vector<1x16xi32>,
    %swap3A_460 = vector.shape_cast %swap3A_459 : vector<1x16xi32> to vector<16xi32>
    %swap3A_461 = vector.shape_cast %convert_element_type3A_455 : vector<16xi32> to vector<1x16xi32>
    tpu.vector_store %arg7[%swap3A_457, %swap3A_458], %swap3A_461 {strides = array<i32>} : memref<8x64xi32, #tpu.memory_space<vmem>>, vector<1x16xi32>,
    %get3A_462 = arith.constant 480 : index
    %get3A_463 = tpu.vector_load %arg6[%get3A_462] {strides = array<i32>} : memref<25600xf32, #tpu.memory_space<vmem>>, vector<16xf32>,
    %get3A_464 = vector.shape_cast %get3A_463 : vector<16xf32> to vector<16xf32>
    %mul3A_465 = arith.constant 2.880000e+02 : f32
    %mul3A_466 = vector.broadcast %mul3A_465 : f32 to vector<16xf32>
    %mul3A_467 = arith.mulf %get3A_464, %mul3A_466 : vector<16xf32>
    %convert_element_type3A_468 = arith.fptosi %mul3A_467 : vector<16xf32> to vector<16xi32>
    %swap3A_469 = arith.constant 7 : i32
    %swap3A_470 = arith.index_cast %swap3A_469 : i32 to index
    %swap3A_471 = arith.constant 32 : index
    %swap3A_472 = tpu.vector_load %arg7[%swap3A_470, %swap3A_471] {strides = array<i32>} : memref<8x64xi32, #tpu.memory_space<vmem>>, vector<1x16xi32>,
    %swap3A_473 = vector.shape_cast %swap3A_472 : vector<1x16xi32> to vector<16xi32>
    %swap3A_474 = vector.shape_cast %convert_element_type3A_468 : vector<16xi32> to vector<1x16xi32>
    tpu.vector_store %arg7[%swap3A_470, %swap3A_471], %swap3A_474 {strides = array<i32>} : memref<8x64xi32, #tpu.memory_space<vmem>>, vector<1x16xi32>,
    %get3A_475 = arith.constant 496 : index
    %get3A_476 = tpu.vector_load %arg6[%get3A_475] {strides = array<i32>} : memref<25600xf32, #tpu.memory_space<vmem>>, vector<16xf32>,
    %get3A_477 = vector.shape_cast %get3A_476 : vector<16xf32> to vector<16xf32>
    %mul3A_478 = arith.constant 2.880000e+02 : f32
    %mul3A_479 = vector.broadcast %mul3A_478 : f32 to vector<16xf32>
    %mul3A_480 = arith.mulf %get3A_477, %mul3A_479 : vector<16xf32>
    %convert_element_type3A_481 = arith.fptosi %mul3A_480 : vector<16xf32> to vector<16xi32>
    %swap3A_482 = arith.constant 7 : i32
    %swap3A_483 = arith.index_cast %swap3A_482 : i32 to index
    %swap3A_484 = arith.constant 48 : index
    %swap3A_485 = tpu.vector_load %arg7[%swap3A_483, %swap3A_484] {strides = array<i32>} : memref<8x64xi32, #tpu.memory_space<vmem>>, vector<1x16xi32>,
    %swap3A_486 = vector.shape_cast %swap3A_485 : vector<1x16xi32> to vector<16xi32>
    %swap3A_487 = vector.shape_cast %convert_element_type3A_481 : vector<16xi32> to vector<1x16xi32>
    tpu.vector_store %arg7[%swap3A_483, %swap3A_484], %swap3A_487 {strides = array<i32>} : memref<8x64xi32, #tpu.memory_space<vmem>>, vector<1x16xi32>,
    %dma_start3A_488 = arith.constant 7 : i32
    %dma_start3A_489 = arith.constant 0 : i32
    %dma_start3A_490 = arith.constant 0 : i32
    %dma_start3A_491 = tpu.memref_slice %arg15[%dma_start3A_489, %dma_start3A_490] : memref<64x128xf32, #tpu.memory_space<vmem>> -> memref<64x128xf32, #tpu.memory_space<vmem>>
    %dma_start3A_492 = arith.constant 0 : i32
    %dma_start3A_493 = tpu.memref_slice %arg7[%dma_start3A_488, %dma_start3A_492] : memref<8x64xi32, #tpu.memory_space<vmem>> -> memref<1x64xi32, #tpu.memory_space<vmem>>
    %dma_start3A_494 = tpu.memref_squeeze %dma_start3A_493 : memref<1x64xi32, #tpu.memory_space<vmem>> -> memref<64xi32, #tpu.memory_space<vmem>>
    %dma_start3A_495 = arith.constant 0 : i32
    %dma_start3A_496 = arith.constant 0 : i32
    %dma_start3A_497 = tpu.memref_slice %arg5[%dma_start3A_495, %dma_start3A_496] : memref<288x128xf32, #tpu.memory_space<vmem_shared>> -> memref<288x128xf32, #tpu.memory_space<vmem_shared>>
    tpu.enqueue_indirect_dma source(%dma_start3A_497 : memref<288x128xf32, #tpu.memory_space<vmem_shared>>) target(%dma_start3A_491 : memref<64x128xf32, #tpu.memory_space<vmem>>) offsets(%dma_start3A_494 : memref<64xi32, #tpu.memory_space<vmem>>) semaphore(%arg23 : memref<!tpu.dma_semaphore, #tpu.memory_space<semaphore_mem>>)
    %scan3A = arith.constant 0 : i32
    %scan3A_498 = arith.constant 49 : i32
    %scan3A_499 = arith.addi %scan3A, %scan3A_498 : i32
    %scan3A_500 = arith.constant 1 : i32
    scf.for %scan3A_677 = %scan3A to %scan3A_499 step %scan3A_500  : i32 {
      %mul3A_678 = arith.constant 8 : i32
      %mul3A_679 = arith.muli %scan3A_677, %mul3A_678 : i32
      %add3A_680 = arith.constant 0 : i32
      %add3A_681 = arith.addi %mul3A_679, %add3A_680 : i32
      %dma_wait3A_682 = arith.constant 0 : i32
      %dma_wait3A_683 = arith.constant 0 : i32
      %dma_wait3A_684 = arith.constant 0 : i32
      %dma_wait3A_685 = tpu.memref_slice %arg8[%dma_wait3A_683, %dma_wait3A_684] : memref<64x128xf32, #tpu.memory_space<vmem>> -> memref<64x128xf32, #tpu.memory_space<vmem>>
      %dma_wait3A_686 = arith.constant 0 : i32
      %dma_wait3A_687 = tpu.memref_slice %arg7[%dma_wait3A_682, %dma_wait3A_686] : memref<8x64xi32, #tpu.memory_space<vmem>> -> memref<1x64xi32, #tpu.memory_space<vmem>>
      %dma_wait3A_688 = tpu.memref_squeeze %dma_wait3A_687 : memref<1x64xi32, #tpu.memory_space<vmem>> -> memref<64xi32, #tpu.memory_space<vmem>>
      %dma_wait3A_689 = arith.constant 0 : i32
      %dma_wait3A_690 = arith.constant 0 : i32
      %dma_wait3A_691 = tpu.memref_slice %arg5[%dma_wait3A_689, %dma_wait3A_690] : memref<288x128xf32, #tpu.memory_space<vmem_shared>> -> memref<288x128xf32, #tpu.memory_space<vmem_shared>>
      tpu.wait_indirect_dma semaphore(%arg16 : memref<!tpu.dma_semaphore, #tpu.memory_space<semaphore_mem>>) src(%dma_wait3A_691 : memref<288x128xf32, #tpu.memory_space<vmem_shared>>) dst(%dma_wait3A_685 : memref<64x128xf32, #tpu.memory_space<vmem>>)
      %mul3A_692 = arith.constant 64 : i32
      %mul3A_693 = arith.muli %add3A_681, %mul3A_692 : i32
      %add3A_694 = arith.addi %mul3A_2, %mul3A_693 : i32
      %dma_start3A_695 = arith.constant 0 : i32
      %dma_start3A_696 = tpu.memref_slice %arg4[%add3A_694, %dma_start3A_695] : memref<819200x128xf32, #tpu.memory_space<hbm>> -> memref<64x128xf32, #tpu.memory_space<hbm>>
      %dma_start3A_697 = arith.constant 0 : i32
      %dma_start3A_698 = tpu.memref_slice %arg4[%add3A_694, %dma_start3A_697] : memref<819200x128xf32, #tpu.memory_space<hbm>> -> memref<64x128xf32, #tpu.memory_space<hbm>>
      tpu.enqueue_dma source(%arg8 : memref<64x128xf32, #tpu.memory_space<vmem>>) target(%dma_start3A_698 : memref<64x128xf32, #tpu.memory_space<hbm>>) target_semaphore(%arg24 : memref<!tpu.dma_semaphore, #tpu.memory_space<semaphore_mem>>)
      %add3A_699 = arith.constant 8 : i32
      %add3A_700 = arith.addi %add3A_681, %add3A_699 : i32
      %mul3A_701 = arith.constant 64 : i32
      %mul3A_702 = arith.muli %add3A_700, %mul3A_701 : i32
      %add3A_703 = arith.constant 0 : i32
      %add3A_704 = arith.addi %mul3A_702, %add3A_703 : i32
      %add3A_705 = arith.constant 0 : i32
      %add3A_706 = arith.addi %add3A_704, %add3A_705 : i32
      %get3A_707 = arith.index_cast %add3A_706 : i32 to index
      %get3A_708 = tpu.vector_load %arg6[%get3A_707] {strides = array<i32>} : memref<25600xf32, #tpu.memory_space<vmem>>, vector<16xf32>,
      %get3A_709 = vector.shape_cast %get3A_708 : vector<16xf32> to vector<16xf32>
      %mul3A_710 = arith.constant 2.880000e+02 : f32
      %mul3A_711 = vector.broadcast %mul3A_710 : f32 to vector<16xf32>
      %mul3A_712 = arith.mulf %get3A_709, %mul3A_711 : vector<16xf32>
      %convert_element_type3A_713 = arith.fptosi %mul3A_712 : vector<16xf32> to vector<16xi32>
      %swap3A_714 = arith.constant 0 : i32
      %swap3A_715 = arith.index_cast %swap3A_714 : i32 to index
      %swap3A_716 = arith.constant 0 : index
      %swap3A_717 = tpu.vector_load %arg7[%swap3A_715, %swap3A_716] {strides = array<i32>} : memref<8x64xi32, #tpu.memory_space<vmem>>, vector<1x16xi32>,
      %swap3A_718 = vector.shape_cast %swap3A_717 : vector<1x16xi32> to vector<16xi32>
      %swap3A_719 = vector.shape_cast %convert_element_type3A_713 : vector<16xi32> to vector<1x16xi32>
      tpu.vector_store %arg7[%swap3A_715, %swap3A_716], %swap3A_719 {strides = array<i32>} : memref<8x64xi32, #tpu.memory_space<vmem>>, vector<1x16xi32>,
      %mul3A_720 = arith.constant 64 : i32
      %mul3A_721 = arith.muli %add3A_700, %mul3A_720 : i32
      %add3A_722 = arith.constant 0 : i32
      %add3A_723 = arith.addi %mul3A_721, %add3A_722 : i32
      %add3A_724 = arith.constant 16 : i32
      %add3A_725 = arith.addi %add3A_723, %add3A_724 : i32
      %get3A_726 = arith.index_cast %add3A_725 : i32 to index
      %get3A_727 = tpu.vector_load %arg6[%get3A_726] {strides = array<i32>} : memref<25600xf32, #tpu.memory_space<vmem>>, vector<16xf32>,
      %get3A_728 = vector.shape_cast %get3A_727 : vector<16xf32> to vector<16xf32>
      %mul3A_729 = arith.constant 2.880000e+02 : f32
      %mul3A_730 = vector.broadcast %mul3A_729 : f32 to vector<16xf32>
      %mul3A_731 = arith.mulf %get3A_728, %mul3A_730 : vector<16xf32>
      %convert_element_type3A_732 = arith.fptosi %mul3A_731 : vector<16xf32> to vector<16xi32>
      %swap3A_733 = arith.constant 0 : i32
      %swap3A_734 = arith.index_cast %swap3A_733 : i32 to index
      %swap3A_735 = arith.constant 16 : index
      %swap3A_736 = tpu.vector_load %arg7[%swap3A_734, %swap3A_735] {strides = array<i32>} : memref<8x64xi32, #tpu.memory_space<vmem>>, vector<1x16xi32>,
      %swap3A_737 = vector.shape_cast %swap3A_736 : vector<1x16xi32> to vector<16xi32>
      %swap3A_738 = vector.shape_cast %convert_element_type3A_732 : vector<16xi32> to vector<1x16xi32>
      tpu.vector_store %arg7[%swap3A_734, %swap3A_735], %swap3A_738 {strides = array<i32>} : memref<8x64xi32, #tpu.memory_space<vmem>>, vector<1x16xi32>,
      %mul3A_739 = arith.constant 64 : i32
      %mul3A_740 = arith.muli %add3A_700, %mul3A_739 : i32
      %add3A_741 = arith.constant 0 : i32
      %add3A_742 = arith.addi %mul3A_740, %add3A_741 : i32
      %add3A_743 = arith.constant 32 : i32
      %add3A_744 = arith.addi %add3A_742, %add3A_743 : i32
      %get3A_745 = arith.index_cast %add3A_744 : i32 to index
      %get3A_746 = tpu.vector_load %arg6[%get3A_745] {strides = array<i32>} : memref<25600xf32, #tpu.memory_space<vmem>>, vector<16xf32>,
      %get3A_747 = vector.shape_cast %get3A_746 : vector<16xf32> to vector<16xf32>
      %mul3A_748 = arith.constant 2.880000e+02 : f32
      %mul3A_749 = vector.broadcast %mul3A_748 : f32 to vector<16xf32>
      %mul3A_750 = arith.mulf %get3A_747, %mul3A_749 : vector<16xf32>
      %convert_element_type3A_751 = arith.fptosi %mul3A_750 : vector<16xf32> to vector<16xi32>
      %swap3A_752 = arith.constant 0 : i32
      %swap3A_753 = arith.index_cast %swap3A_752 : i32 to index
      %swap3A_754 = arith.constant 32 : index
      %swap3A_755 = tpu.vector_load %arg7[%swap3A_753, %swap3A_754] {strides = array<i32>} : memref<8x64xi32, #tpu.memory_space<vmem>>, vector<1x16xi32>,
      %swap3A_756 = vector.shape_cast %swap3A_755 : vector<1x16xi32> to vector<16xi32>
      %swap3A_757 = vector.shape_cast %convert_element_type3A_751 : vector<16xi32> to vector<1x16xi32>
      tpu.vector_store %arg7[%swap3A_753, %swap3A_754], %swap3A_757 {strides = array<i32>} : memref<8x64xi32, #tpu.memory_space<vmem>>, vector<1x16xi32>,
      %mul3A_758 = arith.constant 64 : i32
      %mul3A_759 = arith.muli %add3A_700, %mul3A_758 : i32
      %add3A_760 = arith.constant 0 : i32
      %add3A_761 = arith.addi %mul3A_759, %add3A_760 : i32
      %add3A_762 = arith.constant 48 : i32
      %add3A_763 = arith.addi %add3A_761, %add3A_762 : i32
      %get3A_764 = arith.index_cast %add3A_763 : i32 to index
      %get3A_765 = tpu.vector_load %arg6[%get3A_764] {strides = array<i32>} : memref<25600xf32, #tpu.memory_space<vmem>>, vector<16xf32>,
      %get3A_766 = vector.shape_cast %get3A_765 : vector<16xf32> to vector<16xf32>
      %mul3A_767 = arith.constant 2.880000e+02 : f32
      %mul3A_768 = vector.broadcast %mul3A_767 : f32 to vector<16xf32>
      %mul3A_769 = arith.mulf %get3A_766, %mul3A_768 : vector<16xf32>
      %convert_element_type3A_770 = arith.fptosi %mul3A_769 : vector<16xf32> to vector<16xi32>
      %swap3A_771 = arith.constant 0 : i32
      %swap3A_772 = arith.index_cast %swap3A_771 : i32 to index
      %swap3A_773 = arith.constant 48 : index
      %swap3A_774 = tpu.vector_load %arg7[%swap3A_772, %swap3A_773] {strides = array<i32>} : memref<8x64xi32, #tpu.memory_space<vmem>>, vector<1x16xi32>,
      %swap3A_775 = vector.shape_cast %swap3A_774 : vector<1x16xi32> to vector<16xi32>
      %swap3A_776 = vector.shape_cast %convert_element_type3A_770 : vector<16xi32> to vector<1x16xi32>
      tpu.vector_store %arg7[%swap3A_772, %swap3A_773], %swap3A_776 {strides = array<i32>} : memref<8x64xi32, #tpu.memory_space<vmem>>, vector<1x16xi32>,
      %dma_wait3A_777 = arith.constant 0 : i32
      %dma_wait3A_778 = tpu.memref_slice %arg4[%add3A_694, %dma_wait3A_777] : memref<819200x128xf32, #tpu.memory_space<hbm>> -> memref<64x128xf32, #tpu.memory_space<hbm>>
      %dma_wait3A_779 = arith.constant 0 : i32
      %dma_wait3A_780 = tpu.memref_slice %arg4[%add3A_694, %dma_wait3A_779] : memref<819200x128xf32, #tpu.memory_space<hbm>> -> memref<64x128xf32, #tpu.memory_space<hbm>>
      tpu.wait_dma2 semaphore(%arg24 : memref<!tpu.dma_semaphore, #tpu.memory_space<semaphore_mem>>) src(%arg8 : memref<64x128xf32, #tpu.memory_space<vmem>>) dst(%dma_wait3A_780 : memref<64x128xf32, #tpu.memory_space<hbm>>)
      %dma_start3A_781 = arith.constant 0 : i32
      %dma_start3A_782 = arith.constant 0 : i32
      %dma_start3A_783 = arith.constant 0 : i32
      %dma_start3A_784 = tpu.memref_slice %arg8[%dma_start3A_782, %dma_start3A_783] : memref<64x128xf32, #tpu.memory_space<vmem>> -> memref<64x128xf32, #tpu.memory_space<vmem>>
      %dma_start3A_785 = arith.constant 0 : i32
      %dma_start3A_786 = tpu.memref_slice %arg7[%dma_start3A_781, %dma_start3A_785] : memref<8x64xi32, #tpu.memory_space<vmem>> -> memref<1x64xi32, #tpu.memory_space<vmem>>
      %dma_start3A_787 = tpu.memref_squeeze %dma_start3A_786 : memref<1x64xi32, #tpu.memory_space<vmem>> -> memref<64xi32, #tpu.memory_space<vmem>>
      %dma_start3A_788 = arith.constant 0 : i32
      %dma_start3A_789 = arith.constant 0 : i32
      %dma_start3A_790 = tpu.memref_slice %arg5[%dma_start3A_788, %dma_start3A_789] : memref<288x128xf32, #tpu.memory_space<vmem_shared>> -> memref<288x128xf32, #tpu.memory_space<vmem_shared>>
      tpu.enqueue_indirect_dma source(%dma_start3A_790 : memref<288x128xf32, #tpu.memory_space<vmem_shared>>) target(%dma_start3A_784 : memref<64x128xf32, #tpu.memory_space<vmem>>) offsets(%dma_start3A_787 : memref<64xi32, #tpu.memory_space<vmem>>) semaphore(%arg16 : memref<!tpu.dma_semaphore, #tpu.memory_space<semaphore_mem>>)
      %mul3A_791 = arith.constant 8 : i32
      %mul3A_792 = arith.muli %scan3A_677, %mul3A_791 : i32
      %add3A_793 = arith.constant 1 : i32
      %add3A_794 = arith.addi %mul3A_792, %add3A_793 : i32
      %dma_wait3A_795 = arith.constant 1 : i32
      %dma_wait3A_796 = arith.constant 0 : i32
      %dma_wait3A_797 = arith.constant 0 : i32
      %dma_wait3A_798 = tpu.memref_slice %arg9[%dma_wait3A_796, %dma_wait3A_797] : memref<64x128xf32, #tpu.memory_space<vmem>> -> memref<64x128xf32, #tpu.memory_space<vmem>>
      %dma_wait3A_799 = arith.constant 0 : i32
      %dma_wait3A_800 = tpu.memref_slice %arg7[%dma_wait3A_795, %dma_wait3A_799] : memref<8x64xi32, #tpu.memory_space<vmem>> -> memref<1x64xi32, #tpu.memory_space<vmem>>
      %dma_wait3A_801 = tpu.memref_squeeze %dma_wait3A_800 : memref<1x64xi32, #tpu.memory_space<vmem>> -> memref<64xi32, #tpu.memory_space<vmem>>
      %dma_wait3A_802 = arith.constant 0 : i32
      %dma_wait3A_803 = arith.constant 0 : i32
      %dma_wait3A_804 = tpu.memref_slice %arg5[%dma_wait3A_802, %dma_wait3A_803] : memref<288x128xf32, #tpu.memory_space<vmem_shared>> -> memref<288x128xf32, #tpu.memory_space<vmem_shared>>
      tpu.wait_indirect_dma semaphore(%arg17 : memref<!tpu.dma_semaphore, #tpu.memory_space<semaphore_mem>>) src(%dma_wait3A_804 : memref<288x128xf32, #tpu.memory_space<vmem_shared>>) dst(%dma_wait3A_798 : memref<64x128xf32, #tpu.memory_space<vmem>>)
      %mul3A_805 = arith.constant 64 : i32
      %mul3A_806 = arith.muli %add3A_794, %mul3A_805 : i32
      %add3A_807 = arith.addi %mul3A_2, %mul3A_806 : i32
      %dma_start3A_808 = arith.constant 0 : i32
      %dma_start3A_809 = tpu.memref_slice %arg4[%add3A_807, %dma_start3A_808] : memref<819200x128xf32, #tpu.memory_space<hbm>> -> memref<64x128xf32, #tpu.memory_space<hbm>>
      %dma_start3A_810 = arith.constant 0 : i32
      %dma_start3A_811 = tpu.memref_slice %arg4[%add3A_807, %dma_start3A_810] : memref<819200x128xf32, #tpu.memory_space<hbm>> -> memref<64x128xf32, #tpu.memory_space<hbm>>
      tpu.enqueue_dma source(%arg9 : memref<64x128xf32, #tpu.memory_space<vmem>>) target(%dma_start3A_811 : memref<64x128xf32, #tpu.memory_space<hbm>>) target_semaphore(%arg25 : memref<!tpu.dma_semaphore, #tpu.memory_space<semaphore_mem>>)
      %add3A_812 = arith.constant 8 : i32
      %add3A_813 = arith.addi %add3A_794, %add3A_812 : i32
      %mul3A_814 = arith.constant 64 : i32
      %mul3A_815 = arith.muli %add3A_813, %mul3A_814 : i32
      %add3A_816 = arith.constant 0 : i32
      %add3A_817 = arith.addi %mul3A_815, %add3A_816 : i32
      %add3A_818 = arith.constant 0 : i32
      %add3A_819 = arith.addi %add3A_817, %add3A_818 : i32
      %get3A_820 = arith.index_cast %add3A_819 : i32 to index
      %get3A_821 = tpu.vector_load %arg6[%get3A_820] {strides = array<i32>} : memref<25600xf32, #tpu.memory_space<vmem>>, vector<16xf32>,
      %get3A_822 = vector.shape_cast %get3A_821 : vector<16xf32> to vector<16xf32>
      %mul3A_823 = arith.constant 2.880000e+02 : f32
      %mul3A_824 = vector.broadcast %mul3A_823 : f32 to vector<16xf32>
      %mul3A_825 = arith.mulf %get3A_822, %mul3A_824 : vector<16xf32>
      %convert_element_type3A_826 = arith.fptosi %mul3A_825 : vector<16xf32> to vector<16xi32>
      %swap3A_827 = arith.constant 1 : i32
      %swap3A_828 = arith.index_cast %swap3A_827 : i32 to index
      %swap3A_829 = arith.constant 0 : index
      %swap3A_830 = tpu.vector_load %arg7[%swap3A_828, %swap3A_829] {strides = array<i32>} : memref<8x64xi32, #tpu.memory_space<vmem>>, vector<1x16xi32>,
      %swap3A_831 = vector.shape_cast %swap3A_830 : vector<1x16xi32> to vector<16xi32>
      %swap3A_832 = vector.shape_cast %convert_element_type3A_826 : vector<16xi32> to vector<1x16xi32>
      tpu.vector_store %arg7[%swap3A_828, %swap3A_829], %swap3A_832 {strides = array<i32>} : memref<8x64xi32, #tpu.memory_space<vmem>>, vector<1x16xi32>,
      %mul3A_833 = arith.constant 64 : i32
      %mul3A_834 = arith.muli %add3A_813, %mul3A_833 : i32
      %add3A_835 = arith.constant 0 : i32
      %add3A_836 = arith.addi %mul3A_834, %add3A_835 : i32
      %add3A_837 = arith.constant 16 : i32
      %add3A_838 = arith.addi %add3A_836, %add3A_837 : i32
      %get3A_839 = arith.index_cast %add3A_838 : i32 to index
      %get3A_840 = tpu.vector_load %arg6[%get3A_839] {strides = array<i32>} : memref<25600xf32, #tpu.memory_space<vmem>>, vector<16xf32>,
      %get3A_841 = vector.shape_cast %get3A_840 : vector<16xf32> to vector<16xf32>
      %mul3A_842 = arith.constant 2.880000e+02 : f32
      %mul3A_843 = vector.broadcast %mul3A_842 : f32 to vector<16xf32>
      %mul3A_844 = arith.mulf %get3A_841, %mul3A_843 : vector<16xf32>
      %convert_element_type3A_845 = arith.fptosi %mul3A_844 : vector<16xf32> to vector<16xi32>
      %swap3A_846 = arith.constant 1 : i32
      %swap3A_847 = arith.index_cast %swap3A_846 : i32 to index
      %swap3A_848 = arith.constant 16 : index
      %swap3A_849 = tpu.vector_load %arg7[%swap3A_847, %swap3A_848] {strides = array<i32>} : memref<8x64xi32, #tpu.memory_space<vmem>>, vector<1x16xi32>,
      %swap3A_850 = vector.shape_cast %swap3A_849 : vector<1x16xi32> to vector<16xi32>
      %swap3A_851 = vector.shape_cast %convert_element_type3A_845 : vector<16xi32> to vector<1x16xi32>
      tpu.vector_store %arg7[%swap3A_847, %swap3A_848], %swap3A_851 {strides = array<i32>} : memref<8x64xi32, #tpu.memory_space<vmem>>, vector<1x16xi32>,
      %mul3A_852 = arith.constant 64 : i32
      %mul3A_853 = arith.muli %add3A_813, %mul3A_852 : i32
      %add3A_854 = arith.constant 0 : i32
      %add3A_855 = arith.addi %mul3A_853, %add3A_854 : i32
      %add3A_856 = arith.constant 32 : i32
      %add3A_857 = arith.addi %add3A_855, %add3A_856 : i32
      %get3A_858 = arith.index_cast %add3A_857 : i32 to index
      %get3A_859 = tpu.vector_load %arg6[%get3A_858] {strides = array<i32>} : memref<25600xf32, #tpu.memory_space<vmem>>, vector<16xf32>,
      %get3A_860 = vector.shape_cast %get3A_859 : vector<16xf32> to vector<16xf32>
      %mul3A_861 = arith.constant 2.880000e+02 : f32
      %mul3A_862 = vector.broadcast %mul3A_861 : f32 to vector<16xf32>
      %mul3A_863 = arith.mulf %get3A_860, %mul3A_862 : vector<16xf32>
      %convert_element_type3A_864 = arith.fptosi %mul3A_863 : vector<16xf32> to vector<16xi32>
      %swap3A_865 = arith.constant 1 : i32
      %swap3A_866 = arith.index_cast %swap3A_865 : i32 to index
      %swap3A_867 = arith.constant 32 : index
      %swap3A_868 = tpu.vector_load %arg7[%swap3A_866, %swap3A_867] {strides = array<i32>} : memref<8x64xi32, #tpu.memory_space<vmem>>, vector<1x16xi32>,
      %swap3A_869 = vector.shape_cast %swap3A_868 : vector<1x16xi32> to vector<16xi32>
      %swap3A_870 = vector.shape_cast %convert_element_type3A_864 : vector<16xi32> to vector<1x16xi32>
      tpu.vector_store %arg7[%swap3A_866, %swap3A_867], %swap3A_870 {strides = array<i32>} : memref<8x64xi32, #tpu.memory_space<vmem>>, vector<1x16xi32>,
      %mul3A_871 = arith.constant 64 : i32
      %mul3A_872 = arith.muli %add3A_813, %mul3A_871 : i32
      %add3A_873 = arith.constant 0 : i32
      %add3A_874 = arith.addi %mul3A_872, %add3A_873 : i32
      %add3A_875 = arith.constant 48 : i32
      %add3A_876 = arith.addi %add3A_874, %add3A_875 : i32
      %get3A_877 = arith.index_cast %add3A_876 : i32 to index
      %get3A_878 = tpu.vector_load %arg6[%get3A_877] {strides = array<i32>} : memref<25600xf32, #tpu.memory_space<vmem>>, vector<16xf32>,
      %get3A_879 = vector.shape_cast %get3A_878 : vector<16xf32> to vector<16xf32>
      %mul3A_880 = arith.constant 2.880000e+02 : f32
      %mul3A_881 = vector.broadcast %mul3A_880 : f32 to vector<16xf32>
      %mul3A_882 = arith.mulf %get3A_879, %mul3A_881 : vector<16xf32>
      %convert_element_type3A_883 = arith.fptosi %mul3A_882 : vector<16xf32> to vector<16xi32>
      %swap3A_884 = arith.constant 1 : i32
      %swap3A_885 = arith.index_cast %swap3A_884 : i32 to index
      %swap3A_886 = arith.constant 48 : index
      %swap3A_887 = tpu.vector_load %arg7[%swap3A_885, %swap3A_886] {strides = array<i32>} : memref<8x64xi32, #tpu.memory_space<vmem>>, vector<1x16xi32>,
      %swap3A_888 = vector.shape_cast %swap3A_887 : vector<1x16xi32> to vector<16xi32>
      %swap3A_889 = vector.shape_cast %convert_element_type3A_883 : vector<16xi32> to vector<1x16xi32>
      tpu.vector_store %arg7[%swap3A_885, %swap3A_886], %swap3A_889 {strides = array<i32>} : memref<8x64xi32, #tpu.memory_space<vmem>>, vector<1x16xi32>,
      %dma_wait3A_890 = arith.constant 0 : i32
      %dma_wait3A_891 = tpu.memref_slice %arg4[%add3A_807, %dma_wait3A_890] : memref<819200x128xf32, #tpu.memory_space<hbm>> -> memref<64x128xf32, #tpu.memory_space<hbm>>
      %dma_wait3A_892 = arith.constant 0 : i32
      %dma_wait3A_893 = tpu.memref_slice %arg4[%add3A_807, %dma_wait3A_892] : memref<819200x128xf32, #tpu.memory_space<hbm>> -> memref<64x128xf32, #tpu.memory_space<hbm>>
      tpu.wait_dma2 semaphore(%arg25 : memref<!tpu.dma_semaphore, #tpu.memory_space<semaphore_mem>>) src(%arg9 : memref<64x128xf32, #tpu.memory_space<vmem>>) dst(%dma_wait3A_893 : memref<64x128xf32, #tpu.memory_space<hbm>>)
      %dma_start3A_894 = arith.constant 1 : i32
      %dma_start3A_895 = arith.constant 0 : i32
      %dma_start3A_896 = arith.constant 0 : i32
      %dma_start3A_897 = tpu.memref_slice %arg9[%dma_start3A_895, %dma_start3A_896] : memref<64x128xf32, #tpu.memory_space<vmem>> -> memref<64x128xf32, #tpu.memory_space<vmem>>
      %dma_start3A_898 = arith.constant 0 : i32
      %dma_start3A_899 = tpu.memref_slice %arg7[%dma_start3A_894, %dma_start3A_898] : memref<8x64xi32, #tpu.memory_space<vmem>> -> memref<1x64xi32, #tpu.memory_space<vmem>>
      %dma_start3A_900 = tpu.memref_squeeze %dma_start3A_899 : memref<1x64xi32, #tpu.memory_space<vmem>> -> memref<64xi32, #tpu.memory_space<vmem>>
      %dma_start3A_901 = arith.constant 0 : i32
      %dma_start3A_902 = arith.constant 0 : i32
      %dma_start3A_903 = tpu.memref_slice %arg5[%dma_start3A_901, %dma_start3A_902] : memref<288x128xf32, #tpu.memory_space<vmem_shared>> -> memref<288x128xf32, #tpu.memory_space<vmem_shared>>
      tpu.enqueue_indirect_dma source(%dma_start3A_903 : memref<288x128xf32, #tpu.memory_space<vmem_shared>>) target(%dma_start3A_897 : memref<64x128xf32, #tpu.memory_space<vmem>>) offsets(%dma_start3A_900 : memref<64xi32, #tpu.memory_space<vmem>>) semaphore(%arg17 : memref<!tpu.dma_semaphore, #tpu.memory_space<semaphore_mem>>)
      %mul3A_904 = arith.constant 8 : i32
      %mul3A_905 = arith.muli %scan3A_677, %mul3A_904 : i32
      %add3A_906 = arith.constant 2 : i32
      %add3A_907 = arith.addi %mul3A_905, %add3A_906 : i32
      %dma_wait3A_908 = arith.constant 2 : i32
      %dma_wait3A_909 = arith.constant 0 : i32
      %dma_wait3A_910 = arith.constant 0 : i32
      %dma_wait3A_911 = tpu.memref_slice %arg10[%dma_wait3A_909, %dma_wait3A_910] : memref<64x128xf32, #tpu.memory_space<vmem>> -> memref<64x128xf32, #tpu.memory_space<vmem>>
      %dma_wait3A_912 = arith.constant 0 : i32
      %dma_wait3A_913 = tpu.memref_slice %arg7[%dma_wait3A_908, %dma_wait3A_912] : memref<8x64xi32, #tpu.memory_space<vmem>> -> memref<1x64xi32, #tpu.memory_space<vmem>>
      %dma_wait3A_914 = tpu.memref_squeeze %dma_wait3A_913 : memref<1x64xi32, #tpu.memory_space<vmem>> -> memref<64xi32, #tpu.memory_space<vmem>>
      %dma_wait3A_915 = arith.constant 0 : i32
      %dma_wait3A_916 = arith.constant 0 : i32
      %dma_wait3A_917 = tpu.memref_slice %arg5[%dma_wait3A_915, %dma_wait3A_916] : memref<288x128xf32, #tpu.memory_space<vmem_shared>> -> memref<288x128xf32, #tpu.memory_space<vmem_shared>>
      tpu.wait_indirect_dma semaphore(%arg18 : memref<!tpu.dma_semaphore, #tpu.memory_space<semaphore_mem>>) src(%dma_wait3A_917 : memref<288x128xf32, #tpu.memory_space<vmem_shared>>) dst(%dma_wait3A_911 : memref<64x128xf32, #tpu.memory_space<vmem>>)
      %mul3A_918 = arith.constant 64 : i32
      %mul3A_919 = arith.muli %add3A_907, %mul3A_918 : i32
      %add3A_920 = arith.addi %mul3A_2, %mul3A_919 : i32
      %dma_start3A_921 = arith.constant 0 : i32
      %dma_start3A_922 = tpu.memref_slice %arg4[%add3A_920, %dma_start3A_921] : memref<819200x128xf32, #tpu.memory_space<hbm>> -> memref<64x128xf32, #tpu.memory_space<hbm>>
      %dma_start3A_923 = arith.constant 0 : i32
      %dma_start3A_924 = tpu.memref_slice %arg4[%add3A_920, %dma_start3A_923] : memref<819200x128xf32, #tpu.memory_space<hbm>> -> memref<64x128xf32, #tpu.memory_space<hbm>>
      tpu.enqueue_dma source(%arg10 : memref<64x128xf32, #tpu.memory_space<vmem>>) target(%dma_start3A_924 : memref<64x128xf32, #tpu.memory_space<hbm>>) target_semaphore(%arg26 : memref<!tpu.dma_semaphore, #tpu.memory_space<semaphore_mem>>)
      %add3A_925 = arith.constant 8 : i32
      %add3A_926 = arith.addi %add3A_907, %add3A_925 : i32
      %mul3A_927 = arith.constant 64 : i32
      %mul3A_928 = arith.muli %add3A_926, %mul3A_927 : i32
      %add3A_929 = arith.constant 0 : i32
      %add3A_930 = arith.addi %mul3A_928, %add3A_929 : i32
      %add3A_931 = arith.constant 0 : i32
      %add3A_932 = arith.addi %add3A_930, %add3A_931 : i32
      %get3A_933 = arith.index_cast %add3A_932 : i32 to index
      %get3A_934 = tpu.vector_load %arg6[%get3A_933] {strides = array<i32>} : memref<25600xf32, #tpu.memory_space<vmem>>, vector<16xf32>,
      %get3A_935 = vector.shape_cast %get3A_934 : vector<16xf32> to vector<16xf32>
      %mul3A_936 = arith.constant 2.880000e+02 : f32
      %mul3A_937 = vector.broadcast %mul3A_936 : f32 to vector<16xf32>
      %mul3A_938 = arith.mulf %get3A_935, %mul3A_937 : vector<16xf32>
      %convert_element_type3A_939 = arith.fptosi %mul3A_938 : vector<16xf32> to vector<16xi32>
      %swap3A_940 = arith.constant 2 : i32
      %swap3A_941 = arith.index_cast %swap3A_940 : i32 to index
      %swap3A_942 = arith.constant 0 : index
      %swap3A_943 = tpu.vector_load %arg7[%swap3A_941, %swap3A_942] {strides = array<i32>} : memref<8x64xi32, #tpu.memory_space<vmem>>, vector<1x16xi32>,
      %swap3A_944 = vector.shape_cast %swap3A_943 : vector<1x16xi32> to vector<16xi32>
      %swap3A_945 = vector.shape_cast %convert_element_type3A_939 : vector<16xi32> to vector<1x16xi32>
      tpu.vector_store %arg7[%swap3A_941, %swap3A_942], %swap3A_945 {strides = array<i32>} : memref<8x64xi32, #tpu.memory_space<vmem>>, vector<1x16xi32>,
      %mul3A_946 = arith.constant 64 : i32
      %mul3A_947 = arith.muli %add3A_926, %mul3A_946 : i32
      %add3A_948 = arith.constant 0 : i32
      %add3A_949 = arith.addi %mul3A_947, %add3A_948 : i32
      %add3A_950 = arith.constant 16 : i32
      %add3A_951 = arith.addi %add3A_949, %add3A_950 : i32
      %get3A_952 = arith.index_cast %add3A_951 : i32 to index
      %get3A_953 = tpu.vector_load %arg6[%get3A_952] {strides = array<i32>} : memref<25600xf32, #tpu.memory_space<vmem>>, vector<16xf32>,
      %get3A_954 = vector.shape_cast %get3A_953 : vector<16xf32> to vector<16xf32>
      %mul3A_955 = arith.constant 2.880000e+02 : f32
      %mul3A_956 = vector.broadcast %mul3A_955 : f32 to vector<16xf32>
      %mul3A_957 = arith.mulf %get3A_954, %mul3A_956 : vector<16xf32>
      %convert_element_type3A_958 = arith.fptosi %mul3A_957 : vector<16xf32> to vector<16xi32>
      %swap3A_959 = arith.constant 2 : i32
      %swap3A_960 = arith.index_cast %swap3A_959 : i32 to index
      %swap3A_961 = arith.constant 16 : index
      %swap3A_962 = tpu.vector_load %arg7[%swap3A_960, %swap3A_961] {strides = array<i32>} : memref<8x64xi32, #tpu.memory_space<vmem>>, vector<1x16xi32>,
      %swap3A_963 = vector.shape_cast %swap3A_962 : vector<1x16xi32> to vector<16xi32>
      %swap3A_964 = vector.shape_cast %convert_element_type3A_958 : vector<16xi32> to vector<1x16xi32>
      tpu.vector_store %arg7[%swap3A_960, %swap3A_961], %swap3A_964 {strides = array<i32>} : memref<8x64xi32, #tpu.memory_space<vmem>>, vector<1x16xi32>,
      %mul3A_965 = arith.constant 64 : i32
      %mul3A_966 = arith.muli %add3A_926, %mul3A_965 : i32
      %add3A_967 = arith.constant 0 : i32
      %add3A_968 = arith.addi %mul3A_966, %add3A_967 : i32
      %add3A_969 = arith.constant 32 : i32
      %add3A_970 = arith.addi %add3A_968, %add3A_969 : i32
      %get3A_971 = arith.index_cast %add3A_970 : i32 to index
      %get3A_972 = tpu.vector_load %arg6[%get3A_971] {strides = array<i32>} : memref<25600xf32, #tpu.memory_space<vmem>>, vector<16xf32>,
      %get3A_973 = vector.shape_cast %get3A_972 : vector<16xf32> to vector<16xf32>
      %mul3A_974 = arith.constant 2.880000e+02 : f32
      %mul3A_975 = vector.broadcast %mul3A_974 : f32 to vector<16xf32>
      %mul3A_976 = arith.mulf %get3A_973, %mul3A_975 : vector<16xf32>
      %convert_element_type3A_977 = arith.fptosi %mul3A_976 : vector<16xf32> to vector<16xi32>
      %swap3A_978 = arith.constant 2 : i32
      %swap3A_979 = arith.index_cast %swap3A_978 : i32 to index
      %swap3A_980 = arith.constant 32 : index
      %swap3A_981 = tpu.vector_load %arg7[%swap3A_979, %swap3A_980] {strides = array<i32>} : memref<8x64xi32, #tpu.memory_space<vmem>>, vector<1x16xi32>,
      %swap3A_982 = vector.shape_cast %swap3A_981 : vector<1x16xi32> to vector<16xi32>
      %swap3A_983 = vector.shape_cast %convert_element_type3A_977 : vector<16xi32> to vector<1x16xi32>
      tpu.vector_store %arg7[%swap3A_979, %swap3A_980], %swap3A_983 {strides = array<i32>} : memref<8x64xi32, #tpu.memory_space<vmem>>, vector<1x16xi32>,
      %mul3A_984 = arith.constant 64 : i32
      %mul3A_985 = arith.muli %add3A_926, %mul3A_984 : i32
      %add3A_986 = arith.constant 0 : i32
      %add3A_987 = arith.addi %mul3A_985, %add3A_986 : i32
      %add3A_988 = arith.constant 48 : i32
      %add3A_989 = arith.addi %add3A_987, %add3A_988 : i32
      %get3A_990 = arith.index_cast %add3A_989 : i32 to index
      %get3A_991 = tpu.vector_load %arg6[%get3A_990] {strides = array<i32>} : memref<25600xf32, #tpu.memory_space<vmem>>, vector<16xf32>,
      %get3A_992 = vector.shape_cast %get3A_991 : vector<16xf32> to vector<16xf32>
      %mul3A_993 = arith.constant 2.880000e+02 : f32
      %mul3A_994 = vector.broadcast %mul3A_993 : f32 to vector<16xf32>
      %mul3A_995 = arith.mulf %get3A_992, %mul3A_994 : vector<16xf32>
      %convert_element_type3A_996 = arith.fptosi %mul3A_995 : vector<16xf32> to vector<16xi32>
      %swap3A_997 = arith.constant 2 : i32
      %swap3A_998 = arith.index_cast %swap3A_997 : i32 to index
      %swap3A_999 = arith.constant 48 : index
      %swap3A_1000 = tpu.vector_load %arg7[%swap3A_998, %swap3A_999] {strides = array<i32>} : memref<8x64xi32, #tpu.memory_space<vmem>>, vector<1x16xi32>,
      %swap3A_1001 = vector.shape_cast %swap3A_1000 : vector<1x16xi32> to vector<16xi32>
      %swap3A_1002 = vector.shape_cast %convert_element_type3A_996 : vector<16xi32> to vector<1x16xi32>
      tpu.vector_store %arg7[%swap3A_998, %swap3A_999], %swap3A_1002 {strides = array<i32>} : memref<8x64xi32, #tpu.memory_space<vmem>>, vector<1x16xi32>,
      %dma_wait3A_1003 = arith.constant 0 : i32
      %dma_wait3A_1004 = tpu.memref_slice %arg4[%add3A_920, %dma_wait3A_1003] : memref<819200x128xf32, #tpu.memory_space<hbm>> -> memref<64x128xf32, #tpu.memory_space<hbm>>
      %dma_wait3A_1005 = arith.constant 0 : i32
      %dma_wait3A_1006 = tpu.memref_slice %arg4[%add3A_920, %dma_wait3A_1005] : memref<819200x128xf32, #tpu.memory_space<hbm>> -> memref<64x128xf32, #tpu.memory_space<hbm>>
      tpu.wait_dma2 semaphore(%arg26 : memref<!tpu.dma_semaphore, #tpu.memory_space<semaphore_mem>>) src(%arg10 : memref<64x128xf32, #tpu.memory_space<vmem>>) dst(%dma_wait3A_1006 : memref<64x128xf32, #tpu.memory_space<hbm>>)
      %dma_start3A_1007 = arith.constant 2 : i32
      %dma_start3A_1008 = arith.constant 0 : i32
      %dma_start3A_1009 = arith.constant 0 : i32
      %dma_start3A_1010 = tpu.memref_slice %arg10[%dma_start3A_1008, %dma_start3A_1009] : memref<64x128xf32, #tpu.memory_space<vmem>> -> memref<64x128xf32, #tpu.memory_space<vmem>>
      %dma_start3A_1011 = arith.constant 0 : i32
      %dma_start3A_1012 = tpu.memref_slice %arg7[%dma_start3A_1007, %dma_start3A_1011] : memref<8x64xi32, #tpu.memory_space<vmem>> -> memref<1x64xi32, #tpu.memory_space<vmem>>
      %dma_start3A_1013 = tpu.memref_squeeze %dma_start3A_1012 : memref<1x64xi32, #tpu.memory_space<vmem>> -> memref<64xi32, #tpu.memory_space<vmem>>
      %dma_start3A_1014 = arith.constant 0 : i32
      %dma_start3A_1015 = arith.constant 0 : i32
      %dma_start3A_1016 = tpu.memref_slice %arg5[%dma_start3A_1014, %dma_start3A_1015] : memref<288x128xf32, #tpu.memory_space<vmem_shared>> -> memref<288x128xf32, #tpu.memory_space<vmem_shared>>
      tpu.enqueue_indirect_dma source(%dma_start3A_1016 : memref<288x128xf32, #tpu.memory_space<vmem_shared>>) target(%dma_start3A_1010 : memref<64x128xf32, #tpu.memory_space<vmem>>) offsets(%dma_start3A_1013 : memref<64xi32, #tpu.memory_space<vmem>>) semaphore(%arg18 : memref<!tpu.dma_semaphore, #tpu.memory_space<semaphore_mem>>)
      %mul3A_1017 = arith.constant 8 : i32
      %mul3A_1018 = arith.muli %scan3A_677, %mul3A_1017 : i32
      %add3A_1019 = arith.constant 3 : i32
      %add3A_1020 = arith.addi %mul3A_1018, %add3A_1019 : i32
      %dma_wait3A_1021 = arith.constant 3 : i32
      %dma_wait3A_1022 = arith.constant 0 : i32
      %dma_wait3A_1023 = arith.constant 0 : i32
      %dma_wait3A_1024 = tpu.memref_slice %arg11[%dma_wait3A_1022, %dma_wait3A_1023] : memref<64x128xf32, #tpu.memory_space<vmem>> -> memref<64x128xf32, #tpu.memory_space<vmem>>
      %dma_wait3A_1025 = arith.constant 0 : i32
      %dma_wait3A_1026 = tpu.memref_slice %arg7[%dma_wait3A_1021, %dma_wait3A_1025] : memref<8x64xi32, #tpu.memory_space<vmem>> -> memref<1x64xi32, #tpu.memory_space<vmem>>
      %dma_wait3A_1027 = tpu.memref_squeeze %dma_wait3A_1026 : memref<1x64xi32, #tpu.memory_space<vmem>> -> memref<64xi32, #tpu.memory_space<vmem>>
      %dma_wait3A_1028 = arith.constant 0 : i32
      %dma_wait3A_1029 = arith.constant 0 : i32
      %dma_wait3A_1030 = tpu.memref_slice %arg5[%dma_wait3A_1028, %dma_wait3A_1029] : memref<288x128xf32, #tpu.memory_space<vmem_shared>> -> memref<288x128xf32, #tpu.memory_space<vmem_shared>>
      tpu.wait_indirect_dma semaphore(%arg19 : memref<!tpu.dma_semaphore, #tpu.memory_space<semaphore_mem>>) src(%dma_wait3A_1030 : memref<288x128xf32, #tpu.memory_space<vmem_shared>>) dst(%dma_wait3A_1024 : memref<64x128xf32, #tpu.memory_space<vmem>>)
      %mul3A_1031 = arith.constant 64 : i32
      %mul3A_1032 = arith.muli %add3A_1020, %mul3A_1031 : i32
      %add3A_1033 = arith.addi %mul3A_2, %mul3A_1032 : i32
      %dma_start3A_1034 = arith.constant 0 : i32
      %dma_start3A_1035 = tpu.memref_slice %arg4[%add3A_1033, %dma_start3A_1034] : memref<819200x128xf32, #tpu.memory_space<hbm>> -> memref<64x128xf32, #tpu.memory_space<hbm>>
      %dma_start3A_1036 = arith.constant 0 : i32
      %dma_start3A_1037 = tpu.memref_slice %arg4[%add3A_1033, %dma_start3A_1036] : memref<819200x128xf32, #tpu.memory_space<hbm>> -> memref<64x128xf32, #tpu.memory_space<hbm>>
      tpu.enqueue_dma source(%arg11 : memref<64x128xf32, #tpu.memory_space<vmem>>) target(%dma_start3A_1037 : memref<64x128xf32, #tpu.memory_space<hbm>>) target_semaphore(%arg27 : memref<!tpu.dma_semaphore, #tpu.memory_space<semaphore_mem>>)
      %add3A_1038 = arith.constant 8 : i32
      %add3A_1039 = arith.addi %add3A_1020, %add3A_1038 : i32
      %mul3A_1040 = arith.constant 64 : i32
      %mul3A_1041 = arith.muli %add3A_1039, %mul3A_1040 : i32
      %add3A_1042 = arith.constant 0 : i32
      %add3A_1043 = arith.addi %mul3A_1041, %add3A_1042 : i32
      %add3A_1044 = arith.constant 0 : i32
      %add3A_1045 = arith.addi %add3A_1043, %add3A_1044 : i32
      %get3A_1046 = arith.index_cast %add3A_1045 : i32 to index
      %get3A_1047 = tpu.vector_load %arg6[%get3A_1046] {strides = array<i32>} : memref<25600xf32, #tpu.memory_space<vmem>>, vector<16xf32>,
      %get3A_1048 = vector.shape_cast %get3A_1047 : vector<16xf32> to vector<16xf32>
      %mul3A_1049 = arith.constant 2.880000e+02 : f32
      %mul3A_1050 = vector.broadcast %mul3A_1049 : f32 to vector<16xf32>
      %mul3A_1051 = arith.mulf %get3A_1048, %mul3A_1050 : vector<16xf32>
      %convert_element_type3A_1052 = arith.fptosi %mul3A_1051 : vector<16xf32> to vector<16xi32>
      %swap3A_1053 = arith.constant 3 : i32
      %swap3A_1054 = arith.index_cast %swap3A_1053 : i32 to index
      %swap3A_1055 = arith.constant 0 : index
      %swap3A_1056 = tpu.vector_load %arg7[%swap3A_1054, %swap3A_1055] {strides = array<i32>} : memref<8x64xi32, #tpu.memory_space<vmem>>, vector<1x16xi32>,
      %swap3A_1057 = vector.shape_cast %swap3A_1056 : vector<1x16xi32> to vector<16xi32>
      %swap3A_1058 = vector.shape_cast %convert_element_type3A_1052 : vector<16xi32> to vector<1x16xi32>
      tpu.vector_store %arg7[%swap3A_1054, %swap3A_1055], %swap3A_1058 {strides = array<i32>} : memref<8x64xi32, #tpu.memory_space<vmem>>, vector<1x16xi32>,
      %mul3A_1059 = arith.constant 64 : i32
      %mul3A_1060 = arith.muli %add3A_1039, %mul3A_1059 : i32
      %add3A_1061 = arith.constant 0 : i32
      %add3A_1062 = arith.addi %mul3A_1060, %add3A_1061 : i32
      %add3A_1063 = arith.constant 16 : i32
      %add3A_1064 = arith.addi %add3A_1062, %add3A_1063 : i32
      %get3A_1065 = arith.index_cast %add3A_1064 : i32 to index
      %get3A_1066 = tpu.vector_load %arg6[%get3A_1065] {strides = array<i32>} : memref<25600xf32, #tpu.memory_space<vmem>>, vector<16xf32>,
      %get3A_1067 = vector.shape_cast %get3A_1066 : vector<16xf32> to vector<16xf32>
      %mul3A_1068 = arith.constant 2.880000e+02 : f32
      %mul3A_1069 = vector.broadcast %mul3A_1068 : f32 to vector<16xf32>
      %mul3A_1070 = arith.mulf %get3A_1067, %mul3A_1069 : vector<16xf32>
      %convert_element_type3A_1071 = arith.fptosi %mul3A_1070 : vector<16xf32> to vector<16xi32>
      %swap3A_1072 = arith.constant 3 : i32
      %swap3A_1073 = arith.index_cast %swap3A_1072 : i32 to index
      %swap3A_1074 = arith.constant 16 : index
      %swap3A_1075 = tpu.vector_load %arg7[%swap3A_1073, %swap3A_1074] {strides = array<i32>} : memref<8x64xi32, #tpu.memory_space<vmem>>, vector<1x16xi32>,
      %swap3A_1076 = vector.shape_cast %swap3A_1075 : vector<1x16xi32> to vector<16xi32>
      %swap3A_1077 = vector.shape_cast %convert_element_type3A_1071 : vector<16xi32> to vector<1x16xi32>
      tpu.vector_store %arg7[%swap3A_1073, %swap3A_1074], %swap3A_1077 {strides = array<i32>} : memref<8x64xi32, #tpu.memory_space<vmem>>, vector<1x16xi32>,
      %mul3A_1078 = arith.constant 64 : i32
      %mul3A_1079 = arith.muli %add3A_1039, %mul3A_1078 : i32
      %add3A_1080 = arith.constant 0 : i32
      %add3A_1081 = arith.addi %mul3A_1079, %add3A_1080 : i32
      %add3A_1082 = arith.constant 32 : i32
      %add3A_1083 = arith.addi %add3A_1081, %add3A_1082 : i32
      %get3A_1084 = arith.index_cast %add3A_1083 : i32 to index
      %get3A_1085 = tpu.vector_load %arg6[%get3A_1084] {strides = array<i32>} : memref<25600xf32, #tpu.memory_space<vmem>>, vector<16xf32>,
      %get3A_1086 = vector.shape_cast %get3A_1085 : vector<16xf32> to vector<16xf32>
      %mul3A_1087 = arith.constant 2.880000e+02 : f32
      %mul3A_1088 = vector.broadcast %mul3A_1087 : f32 to vector<16xf32>
      %mul3A_1089 = arith.mulf %get3A_1086, %mul3A_1088 : vector<16xf32>
      %convert_element_type3A_1090 = arith.fptosi %mul3A_1089 : vector<16xf32> to vector<16xi32>
      %swap3A_1091 = arith.constant 3 : i32
      %swap3A_1092 = arith.index_cast %swap3A_1091 : i32 to index
      %swap3A_1093 = arith.constant 32 : index
      %swap3A_1094 = tpu.vector_load %arg7[%swap3A_1092, %swap3A_1093] {strides = array<i32>} : memref<8x64xi32, #tpu.memory_space<vmem>>, vector<1x16xi32>,
      %swap3A_1095 = vector.shape_cast %swap3A_1094 : vector<1x16xi32> to vector<16xi32>
      %swap3A_1096 = vector.shape_cast %convert_element_type3A_1090 : vector<16xi32> to vector<1x16xi32>
      tpu.vector_store %arg7[%swap3A_1092, %swap3A_1093], %swap3A_1096 {strides = array<i32>} : memref<8x64xi32, #tpu.memory_space<vmem>>, vector<1x16xi32>,
      %mul3A_1097 = arith.constant 64 : i32
      %mul3A_1098 = arith.muli %add3A_1039, %mul3A_1097 : i32
      %add3A_1099 = arith.constant 0 : i32
      %add3A_1100 = arith.addi %mul3A_1098, %add3A_1099 : i32
      %add3A_1101 = arith.constant 48 : i32
      %add3A_1102 = arith.addi %add3A_1100, %add3A_1101 : i32
      %get3A_1103 = arith.index_cast %add3A_1102 : i32 to index
      %get3A_1104 = tpu.vector_load %arg6[%get3A_1103] {strides = array<i32>} : memref<25600xf32, #tpu.memory_space<vmem>>, vector<16xf32>,
      %get3A_1105 = vector.shape_cast %get3A_1104 : vector<16xf32> to vector<16xf32>
      %mul3A_1106 = arith.constant 2.880000e+02 : f32
      %mul3A_1107 = vector.broadcast %mul3A_1106 : f32 to vector<16xf32>
      %mul3A_1108 = arith.mulf %get3A_1105, %mul3A_1107 : vector<16xf32>
      %convert_element_type3A_1109 = arith.fptosi %mul3A_1108 : vector<16xf32> to vector<16xi32>
      %swap3A_1110 = arith.constant 3 : i32
      %swap3A_1111 = arith.index_cast %swap3A_1110 : i32 to index
      %swap3A_1112 = arith.constant 48 : index
      %swap3A_1113 = tpu.vector_load %arg7[%swap3A_1111, %swap3A_1112] {strides = array<i32>} : memref<8x64xi32, #tpu.memory_space<vmem>>, vector<1x16xi32>,
      %swap3A_1114 = vector.shape_cast %swap3A_1113 : vector<1x16xi32> to vector<16xi32>
      %swap3A_1115 = vector.shape_cast %convert_element_type3A_1109 : vector<16xi32> to vector<1x16xi32>
      tpu.vector_store %arg7[%swap3A_1111, %swap3A_1112], %swap3A_1115 {strides = array<i32>} : memref<8x64xi32, #tpu.memory_space<vmem>>, vector<1x16xi32>,
      %dma_wait3A_1116 = arith.constant 0 : i32
      %dma_wait3A_1117 = tpu.memref_slice %arg4[%add3A_1033, %dma_wait3A_1116] : memref<819200x128xf32, #tpu.memory_space<hbm>> -> memref<64x128xf32, #tpu.memory_space<hbm>>
      %dma_wait3A_1118 = arith.constant 0 : i32
      %dma_wait3A_1119 = tpu.memref_slice %arg4[%add3A_1033, %dma_wait3A_1118] : memref<819200x128xf32, #tpu.memory_space<hbm>> -> memref<64x128xf32, #tpu.memory_space<hbm>>
      tpu.wait_dma2 semaphore(%arg27 : memref<!tpu.dma_semaphore, #tpu.memory_space<semaphore_mem>>) src(%arg11 : memref<64x128xf32, #tpu.memory_space<vmem>>) dst(%dma_wait3A_1119 : memref<64x128xf32, #tpu.memory_space<hbm>>)
      %dma_start3A_1120 = arith.constant 3 : i32
      %dma_start3A_1121 = arith.constant 0 : i32
      %dma_start3A_1122 = arith.constant 0 : i32
      %dma_start3A_1123 = tpu.memref_slice %arg11[%dma_start3A_1121, %dma_start3A_1122] : memref<64x128xf32, #tpu.memory_space<vmem>> -> memref<64x128xf32, #tpu.memory_space<vmem>>
      %dma_start3A_1124 = arith.constant 0 : i32
      %dma_start3A_1125 = tpu.memref_slice %arg7[%dma_start3A_1120, %dma_start3A_1124] : memref<8x64xi32, #tpu.memory_space<vmem>> -> memref<1x64xi32, #tpu.memory_space<vmem>>
      %dma_start3A_1126 = tpu.memref_squeeze %dma_start3A_1125 : memref<1x64xi32, #tpu.memory_space<vmem>> -> memref<64xi32, #tpu.memory_space<vmem>>
      %dma_start3A_1127 = arith.constant 0 : i32
      %dma_start3A_1128 = arith.constant 0 : i32
      %dma_start3A_1129 = tpu.memref_slice %arg5[%dma_start3A_1127, %dma_start3A_1128] : memref<288x128xf32, #tpu.memory_space<vmem_shared>> -> memref<288x128xf32, #tpu.memory_space<vmem_shared>>
      tpu.enqueue_indirect_dma source(%dma_start3A_1129 : memref<288x128xf32, #tpu.memory_space<vmem_shared>>) target(%dma_start3A_1123 : memref<64x128xf32, #tpu.memory_space<vmem>>) offsets(%dma_start3A_1126 : memref<64xi32, #tpu.memory_space<vmem>>) semaphore(%arg19 : memref<!tpu.dma_semaphore, #tpu.memory_space<semaphore_mem>>)
      %mul3A_1130 = arith.constant 8 : i32
      %mul3A_1131 = arith.muli %scan3A_677, %mul3A_1130 : i32
      %add3A_1132 = arith.constant 4 : i32
      %add3A_1133 = arith.addi %mul3A_1131, %add3A_1132 : i32
      %dma_wait3A_1134 = arith.constant 4 : i32
      %dma_wait3A_1135 = arith.constant 0 : i32
      %dma_wait3A_1136 = arith.constant 0 : i32
      %dma_wait3A_1137 = tpu.memref_slice %arg12[%dma_wait3A_1135, %dma_wait3A_1136] : memref<64x128xf32, #tpu.memory_space<vmem>> -> memref<64x128xf32, #tpu.memory_space<vmem>>
      %dma_wait3A_1138 = arith.constant 0 : i32
      %dma_wait3A_1139 = tpu.memref_slice %arg7[%dma_wait3A_1134, %dma_wait3A_1138] : memref<8x64xi32, #tpu.memory_space<vmem>> -> memref<1x64xi32, #tpu.memory_space<vmem>>
      %dma_wait3A_1140 = tpu.memref_squeeze %dma_wait3A_1139 : memref<1x64xi32, #tpu.memory_space<vmem>> -> memref<64xi32, #tpu.memory_space<vmem>>
      %dma_wait3A_1141 = arith.constant 0 : i32
      %dma_wait3A_1142 = arith.constant 0 : i32
      %dma_wait3A_1143 = tpu.memref_slice %arg5[%dma_wait3A_1141, %dma_wait3A_1142] : memref<288x128xf32, #tpu.memory_space<vmem_shared>> -> memref<288x128xf32, #tpu.memory_space<vmem_shared>>
      tpu.wait_indirect_dma semaphore(%arg20 : memref<!tpu.dma_semaphore, #tpu.memory_space<semaphore_mem>>) src(%dma_wait3A_1143 : memref<288x128xf32, #tpu.memory_space<vmem_shared>>) dst(%dma_wait3A_1137 : memref<64x128xf32, #tpu.memory_space<vmem>>)
      %mul3A_1144 = arith.constant 64 : i32
      %mul3A_1145 = arith.muli %add3A_1133, %mul3A_1144 : i32
      %add3A_1146 = arith.addi %mul3A_2, %mul3A_1145 : i32
      %dma_start3A_1147 = arith.constant 0 : i32
      %dma_start3A_1148 = tpu.memref_slice %arg4[%add3A_1146, %dma_start3A_1147] : memref<819200x128xf32, #tpu.memory_space<hbm>> -> memref<64x128xf32, #tpu.memory_space<hbm>>
      %dma_start3A_1149 = arith.constant 0 : i32
      %dma_start3A_1150 = tpu.memref_slice %arg4[%add3A_1146, %dma_start3A_1149] : memref<819200x128xf32, #tpu.memory_space<hbm>> -> memref<64x128xf32, #tpu.memory_space<hbm>>
      tpu.enqueue_dma source(%arg12 : memref<64x128xf32, #tpu.memory_space<vmem>>) target(%dma_start3A_1150 : memref<64x128xf32, #tpu.memory_space<hbm>>) target_semaphore(%arg28 : memref<!tpu.dma_semaphore, #tpu.memory_space<semaphore_mem>>)
      %add3A_1151 = arith.constant 8 : i32
      %add3A_1152 = arith.addi %add3A_1133, %add3A_1151 : i32
      %mul3A_1153 = arith.constant 64 : i32
      %mul3A_1154 = arith.muli %add3A_1152, %mul3A_1153 : i32
      %add3A_1155 = arith.constant 0 : i32
      %add3A_1156 = arith.addi %mul3A_1154, %add3A_1155 : i32
      %add3A_1157 = arith.constant 0 : i32
      %add3A_1158 = arith.addi %add3A_1156, %add3A_1157 : i32
      %get3A_1159 = arith.index_cast %add3A_1158 : i32 to index
      %get3A_1160 = tpu.vector_load %arg6[%get3A_1159] {strides = array<i32>} : memref<25600xf32, #tpu.memory_space<vmem>>, vector<16xf32>,
      %get3A_1161 = vector.shape_cast %get3A_1160 : vector<16xf32> to vector<16xf32>
      %mul3A_1162 = arith.constant 2.880000e+02 : f32
      %mul3A_1163 = vector.broadcast %mul3A_1162 : f32 to vector<16xf32>
      %mul3A_1164 = arith.mulf %get3A_1161, %mul3A_1163 : vector<16xf32>
      %convert_element_type3A_1165 = arith.fptosi %mul3A_1164 : vector<16xf32> to vector<16xi32>
      %swap3A_1166 = arith.constant 4 : i32
      %swap3A_1167 = arith.index_cast %swap3A_1166 : i32 to index
      %swap3A_1168 = arith.constant 0 : index
      %swap3A_1169 = tpu.vector_load %arg7[%swap3A_1167, %swap3A_1168] {strides = array<i32>} : memref<8x64xi32, #tpu.memory_space<vmem>>, vector<1x16xi32>,
      %swap3A_1170 = vector.shape_cast %swap3A_1169 : vector<1x16xi32> to vector<16xi32>
      %swap3A_1171 = vector.shape_cast %convert_element_type3A_1165 : vector<16xi32> to vector<1x16xi32>
      tpu.vector_store %arg7[%swap3A_1167, %swap3A_1168], %swap3A_1171 {strides = array<i32>} : memref<8x64xi32, #tpu.memory_space<vmem>>, vector<1x16xi32>,
      %mul3A_1172 = arith.constant 64 : i32
      %mul3A_1173 = arith.muli %add3A_1152, %mul3A_1172 : i32
      %add3A_1174 = arith.constant 0 : i32
      %add3A_1175 = arith.addi %mul3A_1173, %add3A_1174 : i32
      %add3A_1176 = arith.constant 16 : i32
      %add3A_1177 = arith.addi %add3A_1175, %add3A_1176 : i32
      %get3A_1178 = arith.index_cast %add3A_1177 : i32 to index
      %get3A_1179 = tpu.vector_load %arg6[%get3A_1178] {strides = array<i32>} : memref<25600xf32, #tpu.memory_space<vmem>>, vector<16xf32>,
      %get3A_1180 = vector.shape_cast %get3A_1179 : vector<16xf32> to vector<16xf32>
      %mul3A_1181 = arith.constant 2.880000e+02 : f32
      %mul3A_1182 = vector.broadcast %mul3A_1181 : f32 to vector<16xf32>
      %mul3A_1183 = arith.mulf %get3A_1180, %mul3A_1182 : vector<16xf32>
      %convert_element_type3A_1184 = arith.fptosi %mul3A_1183 : vector<16xf32> to vector<16xi32>
      %swap3A_1185 = arith.constant 4 : i32
      %swap3A_1186 = arith.index_cast %swap3A_1185 : i32 to index
      %swap3A_1187 = arith.constant 16 : index
      %swap3A_1188 = tpu.vector_load %arg7[%swap3A_1186, %swap3A_1187] {strides = array<i32>} : memref<8x64xi32, #tpu.memory_space<vmem>>, vector<1x16xi32>,
      %swap3A_1189 = vector.shape_cast %swap3A_1188 : vector<1x16xi32> to vector<16xi32>
      %swap3A_1190 = vector.shape_cast %convert_element_type3A_1184 : vector<16xi32> to vector<1x16xi32>
      tpu.vector_store %arg7[%swap3A_1186, %swap3A_1187], %swap3A_1190 {strides = array<i32>} : memref<8x64xi32, #tpu.memory_space<vmem>>, vector<1x16xi32>,
      %mul3A_1191 = arith.constant 64 : i32
      %mul3A_1192 = arith.muli %add3A_1152, %mul3A_1191 : i32
      %add3A_1193 = arith.constant 0 : i32
      %add3A_1194 = arith.addi %mul3A_1192, %add3A_1193 : i32
      %add3A_1195 = arith.constant 32 : i32
      %add3A_1196 = arith.addi %add3A_1194, %add3A_1195 : i32
      %get3A_1197 = arith.index_cast %add3A_1196 : i32 to index
      %get3A_1198 = tpu.vector_load %arg6[%get3A_1197] {strides = array<i32>} : memref<25600xf32, #tpu.memory_space<vmem>>, vector<16xf32>,
      %get3A_1199 = vector.shape_cast %get3A_1198 : vector<16xf32> to vector<16xf32>
      %mul3A_1200 = arith.constant 2.880000e+02 : f32
      %mul3A_1201 = vector.broadcast %mul3A_1200 : f32 to vector<16xf32>
      %mul3A_1202 = arith.mulf %get3A_1199, %mul3A_1201 : vector<16xf32>
      %convert_element_type3A_1203 = arith.fptosi %mul3A_1202 : vector<16xf32> to vector<16xi32>
      %swap3A_1204 = arith.constant 4 : i32
      %swap3A_1205 = arith.index_cast %swap3A_1204 : i32 to index
      %swap3A_1206 = arith.constant 32 : index
      %swap3A_1207 = tpu.vector_load %arg7[%swap3A_1205, %swap3A_1206] {strides = array<i32>} : memref<8x64xi32, #tpu.memory_space<vmem>>, vector<1x16xi32>,
      %swap3A_1208 = vector.shape_cast %swap3A_1207 : vector<1x16xi32> to vector<16xi32>
      %swap3A_1209 = vector.shape_cast %convert_element_type3A_1203 : vector<16xi32> to vector<1x16xi32>
      tpu.vector_store %arg7[%swap3A_1205, %swap3A_1206], %swap3A_1209 {strides = array<i32>} : memref<8x64xi32, #tpu.memory_space<vmem>>, vector<1x16xi32>,
      %mul3A_1210 = arith.constant 64 : i32
      %mul3A_1211 = arith.muli %add3A_1152, %mul3A_1210 : i32
      %add3A_1212 = arith.constant 0 : i32
      %add3A_1213 = arith.addi %mul3A_1211, %add3A_1212 : i32
      %add3A_1214 = arith.constant 48 : i32
      %add3A_1215 = arith.addi %add3A_1213, %add3A_1214 : i32
      %get3A_1216 = arith.index_cast %add3A_1215 : i32 to index
      %get3A_1217 = tpu.vector_load %arg6[%get3A_1216] {strides = array<i32>} : memref<25600xf32, #tpu.memory_space<vmem>>, vector<16xf32>,
      %get3A_1218 = vector.shape_cast %get3A_1217 : vector<16xf32> to vector<16xf32>
      %mul3A_1219 = arith.constant 2.880000e+02 : f32
      %mul3A_1220 = vector.broadcast %mul3A_1219 : f32 to vector<16xf32>
      %mul3A_1221 = arith.mulf %get3A_1218, %mul3A_1220 : vector<16xf32>
      %convert_element_type3A_1222 = arith.fptosi %mul3A_1221 : vector<16xf32> to vector<16xi32>
      %swap3A_1223 = arith.constant 4 : i32
      %swap3A_1224 = arith.index_cast %swap3A_1223 : i32 to index
      %swap3A_1225 = arith.constant 48 : index
      %swap3A_1226 = tpu.vector_load %arg7[%swap3A_1224, %swap3A_1225] {strides = array<i32>} : memref<8x64xi32, #tpu.memory_space<vmem>>, vector<1x16xi32>,
      %swap3A_1227 = vector.shape_cast %swap3A_1226 : vector<1x16xi32> to vector<16xi32>
      %swap3A_1228 = vector.shape_cast %convert_element_type3A_1222 : vector<16xi32> to vector<1x16xi32>
      tpu.vector_store %arg7[%swap3A_1224, %swap3A_1225], %swap3A_1228 {strides = array<i32>} : memref<8x64xi32, #tpu.memory_space<vmem>>, vector<1x16xi32>,
      %dma_wait3A_1229 = arith.constant 0 : i32
      %dma_wait3A_1230 = tpu.memref_slice %arg4[%add3A_1146, %dma_wait3A_1229] : memref<819200x128xf32, #tpu.memory_space<hbm>> -> memref<64x128xf32, #tpu.memory_space<hbm>>
      %dma_wait3A_1231 = arith.constant 0 : i32
      %dma_wait3A_1232 = tpu.memref_slice %arg4[%add3A_1146, %dma_wait3A_1231] : memref<819200x128xf32, #tpu.memory_space<hbm>> -> memref<64x128xf32, #tpu.memory_space<hbm>>
      tpu.wait_dma2 semaphore(%arg28 : memref<!tpu.dma_semaphore, #tpu.memory_space<semaphore_mem>>) src(%arg12 : memref<64x128xf32, #tpu.memory_space<vmem>>) dst(%dma_wait3A_1232 : memref<64x128xf32, #tpu.memory_space<hbm>>)
      %dma_start3A_1233 = arith.constant 4 : i32
      %dma_start3A_1234 = arith.constant 0 : i32
      %dma_start3A_1235 = arith.constant 0 : i32
      %dma_start3A_1236 = tpu.memref_slice %arg12[%dma_start3A_1234, %dma_start3A_1235] : memref<64x128xf32, #tpu.memory_space<vmem>> -> memref<64x128xf32, #tpu.memory_space<vmem>>
      %dma_start3A_1237 = arith.constant 0 : i32
      %dma_start3A_1238 = tpu.memref_slice %arg7[%dma_start3A_1233, %dma_start3A_1237] : memref<8x64xi32, #tpu.memory_space<vmem>> -> memref<1x64xi32, #tpu.memory_space<vmem>>
      %dma_start3A_1239 = tpu.memref_squeeze %dma_start3A_1238 : memref<1x64xi32, #tpu.memory_space<vmem>> -> memref<64xi32, #tpu.memory_space<vmem>>
      %dma_start3A_1240 = arith.constant 0 : i32
      %dma_start3A_1241 = arith.constant 0 : i32
      %dma_start3A_1242 = tpu.memref_slice %arg5[%dma_start3A_1240, %dma_start3A_1241] : memref<288x128xf32, #tpu.memory_space<vmem_shared>> -> memref<288x128xf32, #tpu.memory_space<vmem_shared>>
      tpu.enqueue_indirect_dma source(%dma_start3A_1242 : memref<288x128xf32, #tpu.memory_space<vmem_shared>>) target(%dma_start3A_1236 : memref<64x128xf32, #tpu.memory_space<vmem>>) offsets(%dma_start3A_1239 : memref<64xi32, #tpu.memory_space<vmem>>) semaphore(%arg20 : memref<!tpu.dma_semaphore, #tpu.memory_space<semaphore_mem>>)
      %mul3A_1243 = arith.constant 8 : i32
      %mul3A_1244 = arith.muli %scan3A_677, %mul3A_1243 : i32
      %add3A_1245 = arith.constant 5 : i32
      %add3A_1246 = arith.addi %mul3A_1244, %add3A_1245 : i32
      %dma_wait3A_1247 = arith.constant 5 : i32
      %dma_wait3A_1248 = arith.constant 0 : i32
      %dma_wait3A_1249 = arith.constant 0 : i32
      %dma_wait3A_1250 = tpu.memref_slice %arg13[%dma_wait3A_1248, %dma_wait3A_1249] : memref<64x128xf32, #tpu.memory_space<vmem>> -> memref<64x128xf32, #tpu.memory_space<vmem>>
      %dma_wait3A_1251 = arith.constant 0 : i32
      %dma_wait3A_1252 = tpu.memref_slice %arg7[%dma_wait3A_1247, %dma_wait3A_1251] : memref<8x64xi32, #tpu.memory_space<vmem>> -> memref<1x64xi32, #tpu.memory_space<vmem>>
      %dma_wait3A_1253 = tpu.memref_squeeze %dma_wait3A_1252 : memref<1x64xi32, #tpu.memory_space<vmem>> -> memref<64xi32, #tpu.memory_space<vmem>>
      %dma_wait3A_1254 = arith.constant 0 : i32
      %dma_wait3A_1255 = arith.constant 0 : i32
      %dma_wait3A_1256 = tpu.memref_slice %arg5[%dma_wait3A_1254, %dma_wait3A_1255] : memref<288x128xf32, #tpu.memory_space<vmem_shared>> -> memref<288x128xf32, #tpu.memory_space<vmem_shared>>
      tpu.wait_indirect_dma semaphore(%arg21 : memref<!tpu.dma_semaphore, #tpu.memory_space<semaphore_mem>>) src(%dma_wait3A_1256 : memref<288x128xf32, #tpu.memory_space<vmem_shared>>) dst(%dma_wait3A_1250 : memref<64x128xf32, #tpu.memory_space<vmem>>)
      %mul3A_1257 = arith.constant 64 : i32
      %mul3A_1258 = arith.muli %add3A_1246, %mul3A_1257 : i32
      %add3A_1259 = arith.addi %mul3A_2, %mul3A_1258 : i32
      %dma_start3A_1260 = arith.constant 0 : i32
      %dma_start3A_1261 = tpu.memref_slice %arg4[%add3A_1259, %dma_start3A_1260] : memref<819200x128xf32, #tpu.memory_space<hbm>> -> memref<64x128xf32, #tpu.memory_space<hbm>>
      %dma_start3A_1262 = arith.constant 0 : i32
      %dma_start3A_1263 = tpu.memref_slice %arg4[%add3A_1259, %dma_start3A_1262] : memref<819200x128xf32, #tpu.memory_space<hbm>> -> memref<64x128xf32, #tpu.memory_space<hbm>>
      tpu.enqueue_dma source(%arg13 : memref<64x128xf32, #tpu.memory_space<vmem>>) target(%dma_start3A_1263 : memref<64x128xf32, #tpu.memory_space<hbm>>) target_semaphore(%arg29 : memref<!tpu.dma_semaphore, #tpu.memory_space<semaphore_mem>>)
      %add3A_1264 = arith.constant 8 : i32
      %add3A_1265 = arith.addi %add3A_1246, %add3A_1264 : i32
      %mul3A_1266 = arith.constant 64 : i32
      %mul3A_1267 = arith.muli %add3A_1265, %mul3A_1266 : i32
      %add3A_1268 = arith.constant 0 : i32
      %add3A_1269 = arith.addi %mul3A_1267, %add3A_1268 : i32
      %add3A_1270 = arith.constant 0 : i32
      %add3A_1271 = arith.addi %add3A_1269, %add3A_1270 : i32
      %get3A_1272 = arith.index_cast %add3A_1271 : i32 to index
      %get3A_1273 = tpu.vector_load %arg6[%get3A_1272] {strides = array<i32>} : memref<25600xf32, #tpu.memory_space<vmem>>, vector<16xf32>,
      %get3A_1274 = vector.shape_cast %get3A_1273 : vector<16xf32> to vector<16xf32>
      %mul3A_1275 = arith.constant 2.880000e+02 : f32
      %mul3A_1276 = vector.broadcast %mul3A_1275 : f32 to vector<16xf32>
      %mul3A_1277 = arith.mulf %get3A_1274, %mul3A_1276 : vector<16xf32>
      %convert_element_type3A_1278 = arith.fptosi %mul3A_1277 : vector<16xf32> to vector<16xi32>
      %swap3A_1279 = arith.constant 5 : i32
      %swap3A_1280 = arith.index_cast %swap3A_1279 : i32 to index
      %swap3A_1281 = arith.constant 0 : index
      %swap3A_1282 = tpu.vector_load %arg7[%swap3A_1280, %swap3A_1281] {strides = array<i32>} : memref<8x64xi32, #tpu.memory_space<vmem>>, vector<1x16xi32>,
      %swap3A_1283 = vector.shape_cast %swap3A_1282 : vector<1x16xi32> to vector<16xi32>
      %swap3A_1284 = vector.shape_cast %convert_element_type3A_1278 : vector<16xi32> to vector<1x16xi32>
      tpu.vector_store %arg7[%swap3A_1280, %swap3A_1281], %swap3A_1284 {strides = array<i32>} : memref<8x64xi32, #tpu.memory_space<vmem>>, vector<1x16xi32>,
      %mul3A_1285 = arith.constant 64 : i32
      %mul3A_1286 = arith.muli %add3A_1265, %mul3A_1285 : i32
      %add3A_1287 = arith.constant 0 : i32
      %add3A_1288 = arith.addi %mul3A_1286, %add3A_1287 : i32
      %add3A_1289 = arith.constant 16 : i32
      %add3A_1290 = arith.addi %add3A_1288, %add3A_1289 : i32
      %get3A_1291 = arith.index_cast %add3A_1290 : i32 to index
      %get3A_1292 = tpu.vector_load %arg6[%get3A_1291] {strides = array<i32>} : memref<25600xf32, #tpu.memory_space<vmem>>, vector<16xf32>,
      %get3A_1293 = vector.shape_cast %get3A_1292 : vector<16xf32> to vector<16xf32>
      %mul3A_1294 = arith.constant 2.880000e+02 : f32
      %mul3A_1295 = vector.broadcast %mul3A_1294 : f32 to vector<16xf32>
      %mul3A_1296 = arith.mulf %get3A_1293, %mul3A_1295 : vector<16xf32>
      %convert_element_type3A_1297 = arith.fptosi %mul3A_1296 : vector<16xf32> to vector<16xi32>
      %swap3A_1298 = arith.constant 5 : i32
      %swap3A_1299 = arith.index_cast %swap3A_1298 : i32 to index
      %swap3A_1300 = arith.constant 16 : index
      %swap3A_1301 = tpu.vector_load %arg7[%swap3A_1299, %swap3A_1300] {strides = array<i32>} : memref<8x64xi32, #tpu.memory_space<vmem>>, vector<1x16xi32>,
      %swap3A_1302 = vector.shape_cast %swap3A_1301 : vector<1x16xi32> to vector<16xi32>
      %swap3A_1303 = vector.shape_cast %convert_element_type3A_1297 : vector<16xi32> to vector<1x16xi32>
      tpu.vector_store %arg7[%swap3A_1299, %swap3A_1300], %swap3A_1303 {strides = array<i32>} : memref<8x64xi32, #tpu.memory_space<vmem>>, vector<1x16xi32>,
      %mul3A_1304 = arith.constant 64 : i32
      %mul3A_1305 = arith.muli %add3A_1265, %mul3A_1304 : i32
      %add3A_1306 = arith.constant 0 : i32
      %add3A_1307 = arith.addi %mul3A_1305, %add3A_1306 : i32
      %add3A_1308 = arith.constant 32 : i32
      %add3A_1309 = arith.addi %add3A_1307, %add3A_1308 : i32
      %get3A_1310 = arith.index_cast %add3A_1309 : i32 to index
      %get3A_1311 = tpu.vector_load %arg6[%get3A_1310] {strides = array<i32>} : memref<25600xf32, #tpu.memory_space<vmem>>, vector<16xf32>,
      %get3A_1312 = vector.shape_cast %get3A_1311 : vector<16xf32> to vector<16xf32>
      %mul3A_1313 = arith.constant 2.880000e+02 : f32
      %mul3A_1314 = vector.broadcast %mul3A_1313 : f32 to vector<16xf32>
      %mul3A_1315 = arith.mulf %get3A_1312, %mul3A_1314 : vector<16xf32>
      %convert_element_type3A_1316 = arith.fptosi %mul3A_1315 : vector<16xf32> to vector<16xi32>
      %swap3A_1317 = arith.constant 5 : i32
      %swap3A_1318 = arith.index_cast %swap3A_1317 : i32 to index
      %swap3A_1319 = arith.constant 32 : index
      %swap3A_1320 = tpu.vector_load %arg7[%swap3A_1318, %swap3A_1319] {strides = array<i32>} : memref<8x64xi32, #tpu.memory_space<vmem>>, vector<1x16xi32>,
      %swap3A_1321 = vector.shape_cast %swap3A_1320 : vector<1x16xi32> to vector<16xi32>
      %swap3A_1322 = vector.shape_cast %convert_element_type3A_1316 : vector<16xi32> to vector<1x16xi32>
      tpu.vector_store %arg7[%swap3A_1318, %swap3A_1319], %swap3A_1322 {strides = array<i32>} : memref<8x64xi32, #tpu.memory_space<vmem>>, vector<1x16xi32>,
      %mul3A_1323 = arith.constant 64 : i32
      %mul3A_1324 = arith.muli %add3A_1265, %mul3A_1323 : i32
      %add3A_1325 = arith.constant 0 : i32
      %add3A_1326 = arith.addi %mul3A_1324, %add3A_1325 : i32
      %add3A_1327 = arith.constant 48 : i32
      %add3A_1328 = arith.addi %add3A_1326, %add3A_1327 : i32
      %get3A_1329 = arith.index_cast %add3A_1328 : i32 to index
      %get3A_1330 = tpu.vector_load %arg6[%get3A_1329] {strides = array<i32>} : memref<25600xf32, #tpu.memory_space<vmem>>, vector<16xf32>,
      %get3A_1331 = vector.shape_cast %get3A_1330 : vector<16xf32> to vector<16xf32>
      %mul3A_1332 = arith.constant 2.880000e+02 : f32
      %mul3A_1333 = vector.broadcast %mul3A_1332 : f32 to vector<16xf32>
      %mul3A_1334 = arith.mulf %get3A_1331, %mul3A_1333 : vector<16xf32>
      %convert_element_type3A_1335 = arith.fptosi %mul3A_1334 : vector<16xf32> to vector<16xi32>
      %swap3A_1336 = arith.constant 5 : i32
      %swap3A_1337 = arith.index_cast %swap3A_1336 : i32 to index
      %swap3A_1338 = arith.constant 48 : index
      %swap3A_1339 = tpu.vector_load %arg7[%swap3A_1337, %swap3A_1338] {strides = array<i32>} : memref<8x64xi32, #tpu.memory_space<vmem>>, vector<1x16xi32>,
      %swap3A_1340 = vector.shape_cast %swap3A_1339 : vector<1x16xi32> to vector<16xi32>
      %swap3A_1341 = vector.shape_cast %convert_element_type3A_1335 : vector<16xi32> to vector<1x16xi32>
      tpu.vector_store %arg7[%swap3A_1337, %swap3A_1338], %swap3A_1341 {strides = array<i32>} : memref<8x64xi32, #tpu.memory_space<vmem>>, vector<1x16xi32>,
      %dma_wait3A_1342 = arith.constant 0 : i32
      %dma_wait3A_1343 = tpu.memref_slice %arg4[%add3A_1259, %dma_wait3A_1342] : memref<819200x128xf32, #tpu.memory_space<hbm>> -> memref<64x128xf32, #tpu.memory_space<hbm>>
      %dma_wait3A_1344 = arith.constant 0 : i32
      %dma_wait3A_1345 = tpu.memref_slice %arg4[%add3A_1259, %dma_wait3A_1344] : memref<819200x128xf32, #tpu.memory_space<hbm>> -> memref<64x128xf32, #tpu.memory_space<hbm>>
      tpu.wait_dma2 semaphore(%arg29 : memref<!tpu.dma_semaphore, #tpu.memory_space<semaphore_mem>>) src(%arg13 : memref<64x128xf32, #tpu.memory_space<vmem>>) dst(%dma_wait3A_1345 : memref<64x128xf32, #tpu.memory_space<hbm>>)
      %dma_start3A_1346 = arith.constant 5 : i32
      %dma_start3A_1347 = arith.constant 0 : i32
      %dma_start3A_1348 = arith.constant 0 : i32
      %dma_start3A_1349 = tpu.memref_slice %arg13[%dma_start3A_1347, %dma_start3A_1348] : memref<64x128xf32, #tpu.memory_space<vmem>> -> memref<64x128xf32, #tpu.memory_space<vmem>>
      %dma_start3A_1350 = arith.constant 0 : i32
      %dma_start3A_1351 = tpu.memref_slice %arg7[%dma_start3A_1346, %dma_start3A_1350] : memref<8x64xi32, #tpu.memory_space<vmem>> -> memref<1x64xi32, #tpu.memory_space<vmem>>
      %dma_start3A_1352 = tpu.memref_squeeze %dma_start3A_1351 : memref<1x64xi32, #tpu.memory_space<vmem>> -> memref<64xi32, #tpu.memory_space<vmem>>
      %dma_start3A_1353 = arith.constant 0 : i32
      %dma_start3A_1354 = arith.constant 0 : i32
      %dma_start3A_1355 = tpu.memref_slice %arg5[%dma_start3A_1353, %dma_start3A_1354] : memref<288x128xf32, #tpu.memory_space<vmem_shared>> -> memref<288x128xf32, #tpu.memory_space<vmem_shared>>
      tpu.enqueue_indirect_dma source(%dma_start3A_1355 : memref<288x128xf32, #tpu.memory_space<vmem_shared>>) target(%dma_start3A_1349 : memref<64x128xf32, #tpu.memory_space<vmem>>) offsets(%dma_start3A_1352 : memref<64xi32, #tpu.memory_space<vmem>>) semaphore(%arg21 : memref<!tpu.dma_semaphore, #tpu.memory_space<semaphore_mem>>)
      %mul3A_1356 = arith.constant 8 : i32
      %mul3A_1357 = arith.muli %scan3A_677, %mul3A_1356 : i32
      %add3A_1358 = arith.constant 6 : i32
      %add3A_1359 = arith.addi %mul3A_1357, %add3A_1358 : i32
      %dma_wait3A_1360 = arith.constant 6 : i32
      %dma_wait3A_1361 = arith.constant 0 : i32
      %dma_wait3A_1362 = arith.constant 0 : i32
      %dma_wait3A_1363 = tpu.memref_slice %arg14[%dma_wait3A_1361, %dma_wait3A_1362] : memref<64x128xf32, #tpu.memory_space<vmem>> -> memref<64x128xf32, #tpu.memory_space<vmem>>
      %dma_wait3A_1364 = arith.constant 0 : i32
      %dma_wait3A_1365 = tpu.memref_slice %arg7[%dma_wait3A_1360, %dma_wait3A_1364] : memref<8x64xi32, #tpu.memory_space<vmem>> -> memref<1x64xi32, #tpu.memory_space<vmem>>
      %dma_wait3A_1366 = tpu.memref_squeeze %dma_wait3A_1365 : memref<1x64xi32, #tpu.memory_space<vmem>> -> memref<64xi32, #tpu.memory_space<vmem>>
      %dma_wait3A_1367 = arith.constant 0 : i32
      %dma_wait3A_1368 = arith.constant 0 : i32
      %dma_wait3A_1369 = tpu.memref_slice %arg5[%dma_wait3A_1367, %dma_wait3A_1368] : memref<288x128xf32, #tpu.memory_space<vmem_shared>> -> memref<288x128xf32, #tpu.memory_space<vmem_shared>>
      tpu.wait_indirect_dma semaphore(%arg22 : memref<!tpu.dma_semaphore, #tpu.memory_space<semaphore_mem>>) src(%dma_wait3A_1369 : memref<288x128xf32, #tpu.memory_space<vmem_shared>>) dst(%dma_wait3A_1363 : memref<64x128xf32, #tpu.memory_space<vmem>>)
      %mul3A_1370 = arith.constant 64 : i32
      %mul3A_1371 = arith.muli %add3A_1359, %mul3A_1370 : i32
      %add3A_1372 = arith.addi %mul3A_2, %mul3A_1371 : i32
      %dma_start3A_1373 = arith.constant 0 : i32
      %dma_start3A_1374 = tpu.memref_slice %arg4[%add3A_1372, %dma_start3A_1373] : memref<819200x128xf32, #tpu.memory_space<hbm>> -> memref<64x128xf32, #tpu.memory_space<hbm>>
      %dma_start3A_1375 = arith.constant 0 : i32
      %dma_start3A_1376 = tpu.memref_slice %arg4[%add3A_1372, %dma_start3A_1375] : memref<819200x128xf32, #tpu.memory_space<hbm>> -> memref<64x128xf32, #tpu.memory_space<hbm>>
      tpu.enqueue_dma source(%arg14 : memref<64x128xf32, #tpu.memory_space<vmem>>) target(%dma_start3A_1376 : memref<64x128xf32, #tpu.memory_space<hbm>>) target_semaphore(%arg30 : memref<!tpu.dma_semaphore, #tpu.memory_space<semaphore_mem>>)
      %add3A_1377 = arith.constant 8 : i32
      %add3A_1378 = arith.addi %add3A_1359, %add3A_1377 : i32
      %mul3A_1379 = arith.constant 64 : i32
      %mul3A_1380 = arith.muli %add3A_1378, %mul3A_1379 : i32
      %add3A_1381 = arith.constant 0 : i32
      %add3A_1382 = arith.addi %mul3A_1380, %add3A_1381 : i32
      %add3A_1383 = arith.constant 0 : i32
      %add3A_1384 = arith.addi %add3A_1382, %add3A_1383 : i32
      %get3A_1385 = arith.index_cast %add3A_1384 : i32 to index
      %get3A_1386 = tpu.vector_load %arg6[%get3A_1385] {strides = array<i32>} : memref<25600xf32, #tpu.memory_space<vmem>>, vector<16xf32>,
      %get3A_1387 = vector.shape_cast %get3A_1386 : vector<16xf32> to vector<16xf32>
      %mul3A_1388 = arith.constant 2.880000e+02 : f32
      %mul3A_1389 = vector.broadcast %mul3A_1388 : f32 to vector<16xf32>
      %mul3A_1390 = arith.mulf %get3A_1387, %mul3A_1389 : vector<16xf32>
      %convert_element_type3A_1391 = arith.fptosi %mul3A_1390 : vector<16xf32> to vector<16xi32>
      %swap3A_1392 = arith.constant 6 : i32
      %swap3A_1393 = arith.index_cast %swap3A_1392 : i32 to index
      %swap3A_1394 = arith.constant 0 : index
      %swap3A_1395 = tpu.vector_load %arg7[%swap3A_1393, %swap3A_1394] {strides = array<i32>} : memref<8x64xi32, #tpu.memory_space<vmem>>, vector<1x16xi32>,
      %swap3A_1396 = vector.shape_cast %swap3A_1395 : vector<1x16xi32> to vector<16xi32>
      %swap3A_1397 = vector.shape_cast %convert_element_type3A_1391 : vector<16xi32> to vector<1x16xi32>
      tpu.vector_store %arg7[%swap3A_1393, %swap3A_1394], %swap3A_1397 {strides = array<i32>} : memref<8x64xi32, #tpu.memory_space<vmem>>, vector<1x16xi32>,
      %mul3A_1398 = arith.constant 64 : i32
      %mul3A_1399 = arith.muli %add3A_1378, %mul3A_1398 : i32
      %add3A_1400 = arith.constant 0 : i32
      %add3A_1401 = arith.addi %mul3A_1399, %add3A_1400 : i32
      %add3A_1402 = arith.constant 16 : i32
      %add3A_1403 = arith.addi %add3A_1401, %add3A_1402 : i32
      %get3A_1404 = arith.index_cast %add3A_1403 : i32 to index
      %get3A_1405 = tpu.vector_load %arg6[%get3A_1404] {strides = array<i32>} : memref<25600xf32, #tpu.memory_space<vmem>>, vector<16xf32>,
      %get3A_1406 = vector.shape_cast %get3A_1405 : vector<16xf32> to vector<16xf32>
      %mul3A_1407 = arith.constant 2.880000e+02 : f32
      %mul3A_1408 = vector.broadcast %mul3A_1407 : f32 to vector<16xf32>
      %mul3A_1409 = arith.mulf %get3A_1406, %mul3A_1408 : vector<16xf32>
      %convert_element_type3A_1410 = arith.fptosi %mul3A_1409 : vector<16xf32> to vector<16xi32>
      %swap3A_1411 = arith.constant 6 : i32
      %swap3A_1412 = arith.index_cast %swap3A_1411 : i32 to index
      %swap3A_1413 = arith.constant 16 : index
      %swap3A_1414 = tpu.vector_load %arg7[%swap3A_1412, %swap3A_1413] {strides = array<i32>} : memref<8x64xi32, #tpu.memory_space<vmem>>, vector<1x16xi32>,
      %swap3A_1415 = vector.shape_cast %swap3A_1414 : vector<1x16xi32> to vector<16xi32>
      %swap3A_1416 = vector.shape_cast %convert_element_type3A_1410 : vector<16xi32> to vector<1x16xi32>
      tpu.vector_store %arg7[%swap3A_1412, %swap3A_1413], %swap3A_1416 {strides = array<i32>} : memref<8x64xi32, #tpu.memory_space<vmem>>, vector<1x16xi32>,
      %mul3A_1417 = arith.constant 64 : i32
      %mul3A_1418 = arith.muli %add3A_1378, %mul3A_1417 : i32
      %add3A_1419 = arith.constant 0 : i32
      %add3A_1420 = arith.addi %mul3A_1418, %add3A_1419 : i32
      %add3A_1421 = arith.constant 32 : i32
      %add3A_1422 = arith.addi %add3A_1420, %add3A_1421 : i32
      %get3A_1423 = arith.index_cast %add3A_1422 : i32 to index
      %get3A_1424 = tpu.vector_load %arg6[%get3A_1423] {strides = array<i32>} : memref<25600xf32, #tpu.memory_space<vmem>>, vector<16xf32>,
      %get3A_1425 = vector.shape_cast %get3A_1424 : vector<16xf32> to vector<16xf32>
      %mul3A_1426 = arith.constant 2.880000e+02 : f32
      %mul3A_1427 = vector.broadcast %mul3A_1426 : f32 to vector<16xf32>
      %mul3A_1428 = arith.mulf %get3A_1425, %mul3A_1427 : vector<16xf32>
      %convert_element_type3A_1429 = arith.fptosi %mul3A_1428 : vector<16xf32> to vector<16xi32>
      %swap3A_1430 = arith.constant 6 : i32
      %swap3A_1431 = arith.index_cast %swap3A_1430 : i32 to index
      %swap3A_1432 = arith.constant 32 : index
      %swap3A_1433 = tpu.vector_load %arg7[%swap3A_1431, %swap3A_1432] {strides = array<i32>} : memref<8x64xi32, #tpu.memory_space<vmem>>, vector<1x16xi32>,
      %swap3A_1434 = vector.shape_cast %swap3A_1433 : vector<1x16xi32> to vector<16xi32>
      %swap3A_1435 = vector.shape_cast %convert_element_type3A_1429 : vector<16xi32> to vector<1x16xi32>
      tpu.vector_store %arg7[%swap3A_1431, %swap3A_1432], %swap3A_1435 {strides = array<i32>} : memref<8x64xi32, #tpu.memory_space<vmem>>, vector<1x16xi32>,
      %mul3A_1436 = arith.constant 64 : i32
      %mul3A_1437 = arith.muli %add3A_1378, %mul3A_1436 : i32
      %add3A_1438 = arith.constant 0 : i32
      %add3A_1439 = arith.addi %mul3A_1437, %add3A_1438 : i32
      %add3A_1440 = arith.constant 48 : i32
      %add3A_1441 = arith.addi %add3A_1439, %add3A_1440 : i32
      %get3A_1442 = arith.index_cast %add3A_1441 : i32 to index
      %get3A_1443 = tpu.vector_load %arg6[%get3A_1442] {strides = array<i32>} : memref<25600xf32, #tpu.memory_space<vmem>>, vector<16xf32>,
      %get3A_1444 = vector.shape_cast %get3A_1443 : vector<16xf32> to vector<16xf32>
      %mul3A_1445 = arith.constant 2.880000e+02 : f32
      %mul3A_1446 = vector.broadcast %mul3A_1445 : f32 to vector<16xf32>
      %mul3A_1447 = arith.mulf %get3A_1444, %mul3A_1446 : vector<16xf32>
      %convert_element_type3A_1448 = arith.fptosi %mul3A_1447 : vector<16xf32> to vector<16xi32>
      %swap3A_1449 = arith.constant 6 : i32
      %swap3A_1450 = arith.index_cast %swap3A_1449 : i32 to index
      %swap3A_1451 = arith.constant 48 : index
      %swap3A_1452 = tpu.vector_load %arg7[%swap3A_1450, %swap3A_1451] {strides = array<i32>} : memref<8x64xi32, #tpu.memory_space<vmem>>, vector<1x16xi32>,
      %swap3A_1453 = vector.shape_cast %swap3A_1452 : vector<1x16xi32> to vector<16xi32>
      %swap3A_1454 = vector.shape_cast %convert_element_type3A_1448 : vector<16xi32> to vector<1x16xi32>
      tpu.vector_store %arg7[%swap3A_1450, %swap3A_1451], %swap3A_1454 {strides = array<i32>} : memref<8x64xi32, #tpu.memory_space<vmem>>, vector<1x16xi32>,
      %dma_wait3A_1455 = arith.constant 0 : i32
      %dma_wait3A_1456 = tpu.memref_slice %arg4[%add3A_1372, %dma_wait3A_1455] : memref<819200x128xf32, #tpu.memory_space<hbm>> -> memref<64x128xf32, #tpu.memory_space<hbm>>
      %dma_wait3A_1457 = arith.constant 0 : i32
      %dma_wait3A_1458 = tpu.memref_slice %arg4[%add3A_1372, %dma_wait3A_1457] : memref<819200x128xf32, #tpu.memory_space<hbm>> -> memref<64x128xf32, #tpu.memory_space<hbm>>
      tpu.wait_dma2 semaphore(%arg30 : memref<!tpu.dma_semaphore, #tpu.memory_space<semaphore_mem>>) src(%arg14 : memref<64x128xf32, #tpu.memory_space<vmem>>) dst(%dma_wait3A_1458 : memref<64x128xf32, #tpu.memory_space<hbm>>)
      %dma_start3A_1459 = arith.constant 6 : i32
      %dma_start3A_1460 = arith.constant 0 : i32
      %dma_start3A_1461 = arith.constant 0 : i32
      %dma_start3A_1462 = tpu.memref_slice %arg14[%dma_start3A_1460, %dma_start3A_1461] : memref<64x128xf32, #tpu.memory_space<vmem>> -> memref<64x128xf32, #tpu.memory_space<vmem>>
      %dma_start3A_1463 = arith.constant 0 : i32
      %dma_start3A_1464 = tpu.memref_slice %arg7[%dma_start3A_1459, %dma_start3A_1463] : memref<8x64xi32, #tpu.memory_space<vmem>> -> memref<1x64xi32, #tpu.memory_space<vmem>>
      %dma_start3A_1465 = tpu.memref_squeeze %dma_start3A_1464 : memref<1x64xi32, #tpu.memory_space<vmem>> -> memref<64xi32, #tpu.memory_space<vmem>>
      %dma_start3A_1466 = arith.constant 0 : i32
      %dma_start3A_1467 = arith.constant 0 : i32
      %dma_start3A_1468 = tpu.memref_slice %arg5[%dma_start3A_1466, %dma_start3A_1467] : memref<288x128xf32, #tpu.memory_space<vmem_shared>> -> memref<288x128xf32, #tpu.memory_space<vmem_shared>>
      tpu.enqueue_indirect_dma source(%dma_start3A_1468 : memref<288x128xf32, #tpu.memory_space<vmem_shared>>) target(%dma_start3A_1462 : memref<64x128xf32, #tpu.memory_space<vmem>>) offsets(%dma_start3A_1465 : memref<64xi32, #tpu.memory_space<vmem>>) semaphore(%arg22 : memref<!tpu.dma_semaphore, #tpu.memory_space<semaphore_mem>>)
      %mul3A_1469 = arith.constant 8 : i32
      %mul3A_1470 = arith.muli %scan3A_677, %mul3A_1469 : i32
      %add3A_1471 = arith.constant 7 : i32
      %add3A_1472 = arith.addi %mul3A_1470, %add3A_1471 : i32
      %dma_wait3A_1473 = arith.constant 7 : i32
      %dma_wait3A_1474 = arith.constant 0 : i32
      %dma_wait3A_1475 = arith.constant 0 : i32
      %dma_wait3A_1476 = tpu.memref_slice %arg15[%dma_wait3A_1474, %dma_wait3A_1475] : memref<64x128xf32, #tpu.memory_space<vmem>> -> memref<64x128xf32, #tpu.memory_space<vmem>>
      %dma_wait3A_1477 = arith.constant 0 : i32
      %dma_wait3A_1478 = tpu.memref_slice %arg7[%dma_wait3A_1473, %dma_wait3A_1477] : memref<8x64xi32, #tpu.memory_space<vmem>> -> memref<1x64xi32, #tpu.memory_space<vmem>>
      %dma_wait3A_1479 = tpu.memref_squeeze %dma_wait3A_1478 : memref<1x64xi32, #tpu.memory_space<vmem>> -> memref<64xi32, #tpu.memory_space<vmem>>
      %dma_wait3A_1480 = arith.constant 0 : i32
      %dma_wait3A_1481 = arith.constant 0 : i32
      %dma_wait3A_1482 = tpu.memref_slice %arg5[%dma_wait3A_1480, %dma_wait3A_1481] : memref<288x128xf32, #tpu.memory_space<vmem_shared>> -> memref<288x128xf32, #tpu.memory_space<vmem_shared>>
      tpu.wait_indirect_dma semaphore(%arg23 : memref<!tpu.dma_semaphore, #tpu.memory_space<semaphore_mem>>) src(%dma_wait3A_1482 : memref<288x128xf32, #tpu.memory_space<vmem_shared>>) dst(%dma_wait3A_1476 : memref<64x128xf32, #tpu.memory_space<vmem>>)
      %mul3A_1483 = arith.constant 64 : i32
      %mul3A_1484 = arith.muli %add3A_1472, %mul3A_1483 : i32
      %add3A_1485 = arith.addi %mul3A_2, %mul3A_1484 : i32
      %dma_start3A_1486 = arith.constant 0 : i32
      %dma_start3A_1487 = tpu.memref_slice %arg4[%add3A_1485, %dma_start3A_1486] : memref<819200x128xf32, #tpu.memory_space<hbm>> -> memref<64x128xf32, #tpu.memory_space<hbm>>
      %dma_start3A_1488 = arith.constant 0 : i32
      %dma_start3A_1489 = tpu.memref_slice %arg4[%add3A_1485, %dma_start3A_1488] : memref<819200x128xf32, #tpu.memory_space<hbm>> -> memref<64x128xf32, #tpu.memory_space<hbm>>
      tpu.enqueue_dma source(%arg15 : memref<64x128xf32, #tpu.memory_space<vmem>>) target(%dma_start3A_1489 : memref<64x128xf32, #tpu.memory_space<hbm>>) target_semaphore(%arg31 : memref<!tpu.dma_semaphore, #tpu.memory_space<semaphore_mem>>)
      %add3A_1490 = arith.constant 8 : i32
      %add3A_1491 = arith.addi %add3A_1472, %add3A_1490 : i32
      %mul3A_1492 = arith.constant 64 : i32
      %mul3A_1493 = arith.muli %add3A_1491, %mul3A_1492 : i32
      %add3A_1494 = arith.constant 0 : i32
      %add3A_1495 = arith.addi %mul3A_1493, %add3A_1494 : i32
      %add3A_1496 = arith.constant 0 : i32
      %add3A_1497 = arith.addi %add3A_1495, %add3A_1496 : i32
      %get3A_1498 = arith.index_cast %add3A_1497 : i32 to index
      %get3A_1499 = tpu.vector_load %arg6[%get3A_1498] {strides = array<i32>} : memref<25600xf32, #tpu.memory_space<vmem>>, vector<16xf32>,
      %get3A_1500 = vector.shape_cast %get3A_1499 : vector<16xf32> to vector<16xf32>
      %mul3A_1501 = arith.constant 2.880000e+02 : f32
      %mul3A_1502 = vector.broadcast %mul3A_1501 : f32 to vector<16xf32>
      %mul3A_1503 = arith.mulf %get3A_1500, %mul3A_1502 : vector<16xf32>
      %convert_element_type3A_1504 = arith.fptosi %mul3A_1503 : vector<16xf32> to vector<16xi32>
      %swap3A_1505 = arith.constant 7 : i32
      %swap3A_1506 = arith.index_cast %swap3A_1505 : i32 to index
      %swap3A_1507 = arith.constant 0 : index
      %swap3A_1508 = tpu.vector_load %arg7[%swap3A_1506, %swap3A_1507] {strides = array<i32>} : memref<8x64xi32, #tpu.memory_space<vmem>>, vector<1x16xi32>,
      %swap3A_1509 = vector.shape_cast %swap3A_1508 : vector<1x16xi32> to vector<16xi32>
      %swap3A_1510 = vector.shape_cast %convert_element_type3A_1504 : vector<16xi32> to vector<1x16xi32>
      tpu.vector_store %arg7[%swap3A_1506, %swap3A_1507], %swap3A_1510 {strides = array<i32>} : memref<8x64xi32, #tpu.memory_space<vmem>>, vector<1x16xi32>,
      %mul3A_1511 = arith.constant 64 : i32
      %mul3A_1512 = arith.muli %add3A_1491, %mul3A_1511 : i32
      %add3A_1513 = arith.constant 0 : i32
      %add3A_1514 = arith.addi %mul3A_1512, %add3A_1513 : i32
      %add3A_1515 = arith.constant 16 : i32
      %add3A_1516 = arith.addi %add3A_1514, %add3A_1515 : i32
      %get3A_1517 = arith.index_cast %add3A_1516 : i32 to index
      %get3A_1518 = tpu.vector_load %arg6[%get3A_1517] {strides = array<i32>} : memref<25600xf32, #tpu.memory_space<vmem>>, vector<16xf32>,
      %get3A_1519 = vector.shape_cast %get3A_1518 : vector<16xf32> to vector<16xf32>
      %mul3A_1520 = arith.constant 2.880000e+02 : f32
      %mul3A_1521 = vector.broadcast %mul3A_1520 : f32 to vector<16xf32>
      %mul3A_1522 = arith.mulf %get3A_1519, %mul3A_1521 : vector<16xf32>
      %convert_element_type3A_1523 = arith.fptosi %mul3A_1522 : vector<16xf32> to vector<16xi32>
      %swap3A_1524 = arith.constant 7 : i32
      %swap3A_1525 = arith.index_cast %swap3A_1524 : i32 to index
      %swap3A_1526 = arith.constant 16 : index
      %swap3A_1527 = tpu.vector_load %arg7[%swap3A_1525, %swap3A_1526] {strides = array<i32>} : memref<8x64xi32, #tpu.memory_space<vmem>>, vector<1x16xi32>,
      %swap3A_1528 = vector.shape_cast %swap3A_1527 : vector<1x16xi32> to vector<16xi32>
      %swap3A_1529 = vector.shape_cast %convert_element_type3A_1523 : vector<16xi32> to vector<1x16xi32>
      tpu.vector_store %arg7[%swap3A_1525, %swap3A_1526], %swap3A_1529 {strides = array<i32>} : memref<8x64xi32, #tpu.memory_space<vmem>>, vector<1x16xi32>,
      %mul3A_1530 = arith.constant 64 : i32
      %mul3A_1531 = arith.muli %add3A_1491, %mul3A_1530 : i32
      %add3A_1532 = arith.constant 0 : i32
      %add3A_1533 = arith.addi %mul3A_1531, %add3A_1532 : i32
      %add3A_1534 = arith.constant 32 : i32
      %add3A_1535 = arith.addi %add3A_1533, %add3A_1534 : i32
      %get3A_1536 = arith.index_cast %add3A_1535 : i32 to index
      %get3A_1537 = tpu.vector_load %arg6[%get3A_1536] {strides = array<i32>} : memref<25600xf32, #tpu.memory_space<vmem>>, vector<16xf32>,
      %get3A_1538 = vector.shape_cast %get3A_1537 : vector<16xf32> to vector<16xf32>
      %mul3A_1539 = arith.constant 2.880000e+02 : f32
      %mul3A_1540 = vector.broadcast %mul3A_1539 : f32 to vector<16xf32>
      %mul3A_1541 = arith.mulf %get3A_1538, %mul3A_1540 : vector<16xf32>
      %convert_element_type3A_1542 = arith.fptosi %mul3A_1541 : vector<16xf32> to vector<16xi32>
      %swap3A_1543 = arith.constant 7 : i32
      %swap3A_1544 = arith.index_cast %swap3A_1543 : i32 to index
      %swap3A_1545 = arith.constant 32 : index
      %swap3A_1546 = tpu.vector_load %arg7[%swap3A_1544, %swap3A_1545] {strides = array<i32>} : memref<8x64xi32, #tpu.memory_space<vmem>>, vector<1x16xi32>,
      %swap3A_1547 = vector.shape_cast %swap3A_1546 : vector<1x16xi32> to vector<16xi32>
      %swap3A_1548 = vector.shape_cast %convert_element_type3A_1542 : vector<16xi32> to vector<1x16xi32>
      tpu.vector_store %arg7[%swap3A_1544, %swap3A_1545], %swap3A_1548 {strides = array<i32>} : memref<8x64xi32, #tpu.memory_space<vmem>>, vector<1x16xi32>,
      %mul3A_1549 = arith.constant 64 : i32
      %mul3A_1550 = arith.muli %add3A_1491, %mul3A_1549 : i32
      %add3A_1551 = arith.constant 0 : i32
      %add3A_1552 = arith.addi %mul3A_1550, %add3A_1551 : i32
      %add3A_1553 = arith.constant 48 : i32
      %add3A_1554 = arith.addi %add3A_1552, %add3A_1553 : i32
      %get3A_1555 = arith.index_cast %add3A_1554 : i32 to index
      %get3A_1556 = tpu.vector_load %arg6[%get3A_1555] {strides = array<i32>} : memref<25600xf32, #tpu.memory_space<vmem>>, vector<16xf32>,
      %get3A_1557 = vector.shape_cast %get3A_1556 : vector<16xf32> to vector<16xf32>
      %mul3A_1558 = arith.constant 2.880000e+02 : f32
      %mul3A_1559 = vector.broadcast %mul3A_1558 : f32 to vector<16xf32>
      %mul3A_1560 = arith.mulf %get3A_1557, %mul3A_1559 : vector<16xf32>
      %convert_element_type3A_1561 = arith.fptosi %mul3A_1560 : vector<16xf32> to vector<16xi32>
      %swap3A_1562 = arith.constant 7 : i32
      %swap3A_1563 = arith.index_cast %swap3A_1562 : i32 to index
      %swap3A_1564 = arith.constant 48 : index
      %swap3A_1565 = tpu.vector_load %arg7[%swap3A_1563, %swap3A_1564] {strides = array<i32>} : memref<8x64xi32, #tpu.memory_space<vmem>>, vector<1x16xi32>,
      %swap3A_1566 = vector.shape_cast %swap3A_1565 : vector<1x16xi32> to vector<16xi32>
      %swap3A_1567 = vector.shape_cast %convert_element_type3A_1561 : vector<16xi32> to vector<1x16xi32>
      tpu.vector_store %arg7[%swap3A_1563, %swap3A_1564], %swap3A_1567 {strides = array<i32>} : memref<8x64xi32, #tpu.memory_space<vmem>>, vector<1x16xi32>,
      %dma_wait3A_1568 = arith.constant 0 : i32
      %dma_wait3A_1569 = tpu.memref_slice %arg4[%add3A_1485, %dma_wait3A_1568] : memref<819200x128xf32, #tpu.memory_space<hbm>> -> memref<64x128xf32, #tpu.memory_space<hbm>>
      %dma_wait3A_1570 = arith.constant 0 : i32
      %dma_wait3A_1571 = tpu.memref_slice %arg4[%add3A_1485, %dma_wait3A_1570] : memref<819200x128xf32, #tpu.memory_space<hbm>> -> memref<64x128xf32, #tpu.memory_space<hbm>>
      tpu.wait_dma2 semaphore(%arg31 : memref<!tpu.dma_semaphore, #tpu.memory_space<semaphore_mem>>) src(%arg15 : memref<64x128xf32, #tpu.memory_space<vmem>>) dst(%dma_wait3A_1571 : memref<64x128xf32, #tpu.memory_space<hbm>>)
      %dma_start3A_1572 = arith.constant 7 : i32
      %dma_start3A_1573 = arith.constant 0 : i32
      %dma_start3A_1574 = arith.constant 0 : i32
      %dma_start3A_1575 = tpu.memref_slice %arg15[%dma_start3A_1573, %dma_start3A_1574] : memref<64x128xf32, #tpu.memory_space<vmem>> -> memref<64x128xf32, #tpu.memory_space<vmem>>
      %dma_start3A_1576 = arith.constant 0 : i32
      %dma_start3A_1577 = tpu.memref_slice %arg7[%dma_start3A_1572, %dma_start3A_1576] : memref<8x64xi32, #tpu.memory_space<vmem>> -> memref<1x64xi32, #tpu.memory_space<vmem>>
      %dma_start3A_1578 = tpu.memref_squeeze %dma_start3A_1577 : memref<1x64xi32, #tpu.memory_space<vmem>> -> memref<64xi32, #tpu.memory_space<vmem>>
      %dma_start3A_1579 = arith.constant 0 : i32
      %dma_start3A_1580 = arith.constant 0 : i32
      %dma_start3A_1581 = tpu.memref_slice %arg5[%dma_start3A_1579, %dma_start3A_1580] : memref<288x128xf32, #tpu.memory_space<vmem_shared>> -> memref<288x128xf32, #tpu.memory_space<vmem_shared>>
      tpu.enqueue_indirect_dma source(%dma_start3A_1581 : memref<288x128xf32, #tpu.memory_space<vmem_shared>>) target(%dma_start3A_1575 : memref<64x128xf32, #tpu.memory_space<vmem>>) offsets(%dma_start3A_1578 : memref<64xi32, #tpu.memory_space<vmem>>) semaphore(%arg23 : memref<!tpu.dma_semaphore, #tpu.memory_space<semaphore_mem>>)
    }
    %scan3A_501 = arith.constant 49 : i32
    %dma_wait3A = arith.constant 0 : i32
    %dma_wait3A_502 = arith.constant 0 : i32
    %dma_wait3A_503 = arith.constant 0 : i32
    %dma_wait3A_504 = tpu.memref_slice %arg8[%dma_wait3A_502, %dma_wait3A_503] : memref<64x128xf32, #tpu.memory_space<vmem>> -> memref<64x128xf32, #tpu.memory_space<vmem>>
    %dma_wait3A_505 = arith.constant 0 : i32
    %dma_wait3A_506 = tpu.memref_slice %arg7[%dma_wait3A, %dma_wait3A_505] : memref<8x64xi32, #tpu.memory_space<vmem>> -> memref<1x64xi32, #tpu.memory_space<vmem>>
    %dma_wait3A_507 = tpu.memref_squeeze %dma_wait3A_506 : memref<1x64xi32, #tpu.memory_space<vmem>> -> memref<64xi32, #tpu.memory_space<vmem>>
    %dma_wait3A_508 = arith.constant 0 : i32
    %dma_wait3A_509 = arith.constant 0 : i32
    %dma_wait3A_510 = tpu.memref_slice %arg5[%dma_wait3A_508, %dma_wait3A_509] : memref<288x128xf32, #tpu.memory_space<vmem_shared>> -> memref<288x128xf32, #tpu.memory_space<vmem_shared>>
    tpu.wait_indirect_dma semaphore(%arg16 : memref<!tpu.dma_semaphore, #tpu.memory_space<semaphore_mem>>) src(%dma_wait3A_510 : memref<288x128xf32, #tpu.memory_space<vmem_shared>>) dst(%dma_wait3A_504 : memref<64x128xf32, #tpu.memory_space<vmem>>)
    %add3A_511 = arith.constant 25088 : i32
    %add3A_512 = arith.addi %mul3A_2, %add3A_511 : i32
    %dma_start3A_513 = arith.constant 0 : i32
    %dma_start3A_514 = tpu.memref_slice %arg4[%add3A_512, %dma_start3A_513] : memref<819200x128xf32, #tpu.memory_space<hbm>> -> memref<64x128xf32, #tpu.memory_space<hbm>>
    %dma_start3A_515 = arith.constant 0 : i32
    %dma_start3A_516 = tpu.memref_slice %arg4[%add3A_512, %dma_start3A_515] : memref<819200x128xf32, #tpu.memory_space<hbm>> -> memref<64x128xf32, #tpu.memory_space<hbm>>
    tpu.enqueue_dma source(%arg8 : memref<64x128xf32, #tpu.memory_space<vmem>>) target(%dma_start3A_516 : memref<64x128xf32, #tpu.memory_space<hbm>>) target_semaphore(%arg24 : memref<!tpu.dma_semaphore, #tpu.memory_space<semaphore_mem>>)
    %dma_wait3A_517 = arith.constant 1 : i32
    %dma_wait3A_518 = arith.constant 0 : i32
    %dma_wait3A_519 = arith.constant 0 : i32
    %dma_wait3A_520 = tpu.memref_slice %arg9[%dma_wait3A_518, %dma_wait3A_519] : memref<64x128xf32, #tpu.memory_space<vmem>> -> memref<64x128xf32, #tpu.memory_space<vmem>>
    %dma_wait3A_521 = arith.constant 0 : i32
    %dma_wait3A_522 = tpu.memref_slice %arg7[%dma_wait3A_517, %dma_wait3A_521] : memref<8x64xi32, #tpu.memory_space<vmem>> -> memref<1x64xi32, #tpu.memory_space<vmem>>
    %dma_wait3A_523 = tpu.memref_squeeze %dma_wait3A_522 : memref<1x64xi32, #tpu.memory_space<vmem>> -> memref<64xi32, #tpu.memory_space<vmem>>
    %dma_wait3A_524 = arith.constant 0 : i32
    %dma_wait3A_525 = arith.constant 0 : i32
    %dma_wait3A_526 = tpu.memref_slice %arg5[%dma_wait3A_524, %dma_wait3A_525] : memref<288x128xf32, #tpu.memory_space<vmem_shared>> -> memref<288x128xf32, #tpu.memory_space<vmem_shared>>
    tpu.wait_indirect_dma semaphore(%arg17 : memref<!tpu.dma_semaphore, #tpu.memory_space<semaphore_mem>>) src(%dma_wait3A_526 : memref<288x128xf32, #tpu.memory_space<vmem_shared>>) dst(%dma_wait3A_520 : memref<64x128xf32, #tpu.memory_space<vmem>>)
    %add3A_527 = arith.constant 25152 : i32
    %add3A_528 = arith.addi %mul3A_2, %add3A_527 : i32
    %dma_start3A_529 = arith.constant 0 : i32
    %dma_start3A_530 = tpu.memref_slice %arg4[%add3A_528, %dma_start3A_529] : memref<819200x128xf32, #tpu.memory_space<hbm>> -> memref<64x128xf32, #tpu.memory_space<hbm>>
    %dma_start3A_531 = arith.constant 0 : i32
    %dma_start3A_532 = tpu.memref_slice %arg4[%add3A_528, %dma_start3A_531] : memref<819200x128xf32, #tpu.memory_space<hbm>> -> memref<64x128xf32, #tpu.memory_space<hbm>>
    tpu.enqueue_dma source(%arg9 : memref<64x128xf32, #tpu.memory_space<vmem>>) target(%dma_start3A_532 : memref<64x128xf32, #tpu.memory_space<hbm>>) target_semaphore(%arg25 : memref<!tpu.dma_semaphore, #tpu.memory_space<semaphore_mem>>)
    %dma_wait3A_533 = arith.constant 2 : i32
    %dma_wait3A_534 = arith.constant 0 : i32
    %dma_wait3A_535 = arith.constant 0 : i32
    %dma_wait3A_536 = tpu.memref_slice %arg10[%dma_wait3A_534, %dma_wait3A_535] : memref<64x128xf32, #tpu.memory_space<vmem>> -> memref<64x128xf32, #tpu.memory_space<vmem>>
    %dma_wait3A_537 = arith.constant 0 : i32
    %dma_wait3A_538 = tpu.memref_slice %arg7[%dma_wait3A_533, %dma_wait3A_537] : memref<8x64xi32, #tpu.memory_space<vmem>> -> memref<1x64xi32, #tpu.memory_space<vmem>>
    %dma_wait3A_539 = tpu.memref_squeeze %dma_wait3A_538 : memref<1x64xi32, #tpu.memory_space<vmem>> -> memref<64xi32, #tpu.memory_space<vmem>>
    %dma_wait3A_540 = arith.constant 0 : i32
    %dma_wait3A_541 = arith.constant 0 : i32
    %dma_wait3A_542 = tpu.memref_slice %arg5[%dma_wait3A_540, %dma_wait3A_541] : memref<288x128xf32, #tpu.memory_space<vmem_shared>> -> memref<288x128xf32, #tpu.memory_space<vmem_shared>>
    tpu.wait_indirect_dma semaphore(%arg18 : memref<!tpu.dma_semaphore, #tpu.memory_space<semaphore_mem>>) src(%dma_wait3A_542 : memref<288x128xf32, #tpu.memory_space<vmem_shared>>) dst(%dma_wait3A_536 : memref<64x128xf32, #tpu.memory_space<vmem>>)
    %add3A_543 = arith.constant 25216 : i32
    %add3A_544 = arith.addi %mul3A_2, %add3A_543 : i32
    %dma_start3A_545 = arith.constant 0 : i32
    %dma_start3A_546 = tpu.memref_slice %arg4[%add3A_544, %dma_start3A_545] : memref<819200x128xf32, #tpu.memory_space<hbm>> -> memref<64x128xf32, #tpu.memory_space<hbm>>
    %dma_start3A_547 = arith.constant 0 : i32
    %dma_start3A_548 = tpu.memref_slice %arg4[%add3A_544, %dma_start3A_547] : memref<819200x128xf32, #tpu.memory_space<hbm>> -> memref<64x128xf32, #tpu.memory_space<hbm>>
    tpu.enqueue_dma source(%arg10 : memref<64x128xf32, #tpu.memory_space<vmem>>) target(%dma_start3A_548 : memref<64x128xf32, #tpu.memory_space<hbm>>) target_semaphore(%arg26 : memref<!tpu.dma_semaphore, #tpu.memory_space<semaphore_mem>>)
    %dma_wait3A_549 = arith.constant 3 : i32
    %dma_wait3A_550 = arith.constant 0 : i32
    %dma_wait3A_551 = arith.constant 0 : i32
    %dma_wait3A_552 = tpu.memref_slice %arg11[%dma_wait3A_550, %dma_wait3A_551] : memref<64x128xf32, #tpu.memory_space<vmem>> -> memref<64x128xf32, #tpu.memory_space<vmem>>
    %dma_wait3A_553 = arith.constant 0 : i32
    %dma_wait3A_554 = tpu.memref_slice %arg7[%dma_wait3A_549, %dma_wait3A_553] : memref<8x64xi32, #tpu.memory_space<vmem>> -> memref<1x64xi32, #tpu.memory_space<vmem>>
    %dma_wait3A_555 = tpu.memref_squeeze %dma_wait3A_554 : memref<1x64xi32, #tpu.memory_space<vmem>> -> memref<64xi32, #tpu.memory_space<vmem>>
    %dma_wait3A_556 = arith.constant 0 : i32
    %dma_wait3A_557 = arith.constant 0 : i32
    %dma_wait3A_558 = tpu.memref_slice %arg5[%dma_wait3A_556, %dma_wait3A_557] : memref<288x128xf32, #tpu.memory_space<vmem_shared>> -> memref<288x128xf32, #tpu.memory_space<vmem_shared>>
    tpu.wait_indirect_dma semaphore(%arg19 : memref<!tpu.dma_semaphore, #tpu.memory_space<semaphore_mem>>) src(%dma_wait3A_558 : memref<288x128xf32, #tpu.memory_space<vmem_shared>>) dst(%dma_wait3A_552 : memref<64x128xf32, #tpu.memory_space<vmem>>)
    %add3A_559 = arith.constant 25280 : i32
    %add3A_560 = arith.addi %mul3A_2, %add3A_559 : i32
    %dma_start3A_561 = arith.constant 0 : i32
    %dma_start3A_562 = tpu.memref_slice %arg4[%add3A_560, %dma_start3A_561] : memref<819200x128xf32, #tpu.memory_space<hbm>> -> memref<64x128xf32, #tpu.memory_space<hbm>>
    %dma_start3A_563 = arith.constant 0 : i32
    %dma_start3A_564 = tpu.memref_slice %arg4[%add3A_560, %dma_start3A_563] : memref<819200x128xf32, #tpu.memory_space<hbm>> -> memref<64x128xf32, #tpu.memory_space<hbm>>
    tpu.enqueue_dma source(%arg11 : memref<64x128xf32, #tpu.memory_space<vmem>>) target(%dma_start3A_564 : memref<64x128xf32, #tpu.memory_space<hbm>>) target_semaphore(%arg27 : memref<!tpu.dma_semaphore, #tpu.memory_space<semaphore_mem>>)
    %dma_wait3A_565 = arith.constant 4 : i32
    %dma_wait3A_566 = arith.constant 0 : i32
    %dma_wait3A_567 = arith.constant 0 : i32
    %dma_wait3A_568 = tpu.memref_slice %arg12[%dma_wait3A_566, %dma_wait3A_567] : memref<64x128xf32, #tpu.memory_space<vmem>> -> memref<64x128xf32, #tpu.memory_space<vmem>>
    %dma_wait3A_569 = arith.constant 0 : i32
    %dma_wait3A_570 = tpu.memref_slice %arg7[%dma_wait3A_565, %dma_wait3A_569] : memref<8x64xi32, #tpu.memory_space<vmem>> -> memref<1x64xi32, #tpu.memory_space<vmem>>
    %dma_wait3A_571 = tpu.memref_squeeze %dma_wait3A_570 : memref<1x64xi32, #tpu.memory_space<vmem>> -> memref<64xi32, #tpu.memory_space<vmem>>
    %dma_wait3A_572 = arith.constant 0 : i32
    %dma_wait3A_573 = arith.constant 0 : i32
    %dma_wait3A_574 = tpu.memref_slice %arg5[%dma_wait3A_572, %dma_wait3A_573] : memref<288x128xf32, #tpu.memory_space<vmem_shared>> -> memref<288x128xf32, #tpu.memory_space<vmem_shared>>
    tpu.wait_indirect_dma semaphore(%arg20 : memref<!tpu.dma_semaphore, #tpu.memory_space<semaphore_mem>>) src(%dma_wait3A_574 : memref<288x128xf32, #tpu.memory_space<vmem_shared>>) dst(%dma_wait3A_568 : memref<64x128xf32, #tpu.memory_space<vmem>>)
    %add3A_575 = arith.constant 25344 : i32
    %add3A_576 = arith.addi %mul3A_2, %add3A_575 : i32
    %dma_start3A_577 = arith.constant 0 : i32
    %dma_start3A_578 = tpu.memref_slice %arg4[%add3A_576, %dma_start3A_577] : memref<819200x128xf32, #tpu.memory_space<hbm>> -> memref<64x128xf32, #tpu.memory_space<hbm>>
    %dma_start3A_579 = arith.constant 0 : i32
    %dma_start3A_580 = tpu.memref_slice %arg4[%add3A_576, %dma_start3A_579] : memref<819200x128xf32, #tpu.memory_space<hbm>> -> memref<64x128xf32, #tpu.memory_space<hbm>>
    tpu.enqueue_dma source(%arg12 : memref<64x128xf32, #tpu.memory_space<vmem>>) target(%dma_start3A_580 : memref<64x128xf32, #tpu.memory_space<hbm>>) target_semaphore(%arg28 : memref<!tpu.dma_semaphore, #tpu.memory_space<semaphore_mem>>)
    %dma_wait3A_581 = arith.constant 5 : i32
    %dma_wait3A_582 = arith.constant 0 : i32
    %dma_wait3A_583 = arith.constant 0 : i32
    %dma_wait3A_584 = tpu.memref_slice %arg13[%dma_wait3A_582, %dma_wait3A_583] : memref<64x128xf32, #tpu.memory_space<vmem>> -> memref<64x128xf32, #tpu.memory_space<vmem>>
    %dma_wait3A_585 = arith.constant 0 : i32
    %dma_wait3A_586 = tpu.memref_slice %arg7[%dma_wait3A_581, %dma_wait3A_585] : memref<8x64xi32, #tpu.memory_space<vmem>> -> memref<1x64xi32, #tpu.memory_space<vmem>>
    %dma_wait3A_587 = tpu.memref_squeeze %dma_wait3A_586 : memref<1x64xi32, #tpu.memory_space<vmem>> -> memref<64xi32, #tpu.memory_space<vmem>>
    %dma_wait3A_588 = arith.constant 0 : i32
    %dma_wait3A_589 = arith.constant 0 : i32
    %dma_wait3A_590 = tpu.memref_slice %arg5[%dma_wait3A_588, %dma_wait3A_589] : memref<288x128xf32, #tpu.memory_space<vmem_shared>> -> memref<288x128xf32, #tpu.memory_space<vmem_shared>>
    tpu.wait_indirect_dma semaphore(%arg21 : memref<!tpu.dma_semaphore, #tpu.memory_space<semaphore_mem>>) src(%dma_wait3A_590 : memref<288x128xf32, #tpu.memory_space<vmem_shared>>) dst(%dma_wait3A_584 : memref<64x128xf32, #tpu.memory_space<vmem>>)
    %add3A_591 = arith.constant 25408 : i32
    %add3A_592 = arith.addi %mul3A_2, %add3A_591 : i32
    %dma_start3A_593 = arith.constant 0 : i32
    %dma_start3A_594 = tpu.memref_slice %arg4[%add3A_592, %dma_start3A_593] : memref<819200x128xf32, #tpu.memory_space<hbm>> -> memref<64x128xf32, #tpu.memory_space<hbm>>
    %dma_start3A_595 = arith.constant 0 : i32
    %dma_start3A_596 = tpu.memref_slice %arg4[%add3A_592, %dma_start3A_595] : memref<819200x128xf32, #tpu.memory_space<hbm>> -> memref<64x128xf32, #tpu.memory_space<hbm>>
    tpu.enqueue_dma source(%arg13 : memref<64x128xf32, #tpu.memory_space<vmem>>) target(%dma_start3A_596 : memref<64x128xf32, #tpu.memory_space<hbm>>) target_semaphore(%arg29 : memref<!tpu.dma_semaphore, #tpu.memory_space<semaphore_mem>>)
    %dma_wait3A_597 = arith.constant 6 : i32
    %dma_wait3A_598 = arith.constant 0 : i32
    %dma_wait3A_599 = arith.constant 0 : i32
    %dma_wait3A_600 = tpu.memref_slice %arg14[%dma_wait3A_598, %dma_wait3A_599] : memref<64x128xf32, #tpu.memory_space<vmem>> -> memref<64x128xf32, #tpu.memory_space<vmem>>
    %dma_wait3A_601 = arith.constant 0 : i32
    %dma_wait3A_602 = tpu.memref_slice %arg7[%dma_wait3A_597, %dma_wait3A_601] : memref<8x64xi32, #tpu.memory_space<vmem>> -> memref<1x64xi32, #tpu.memory_space<vmem>>
    %dma_wait3A_603 = tpu.memref_squeeze %dma_wait3A_602 : memref<1x64xi32, #tpu.memory_space<vmem>> -> memref<64xi32, #tpu.memory_space<vmem>>
    %dma_wait3A_604 = arith.constant 0 : i32
    %dma_wait3A_605 = arith.constant 0 : i32
    %dma_wait3A_606 = tpu.memref_slice %arg5[%dma_wait3A_604, %dma_wait3A_605] : memref<288x128xf32, #tpu.memory_space<vmem_shared>> -> memref<288x128xf32, #tpu.memory_space<vmem_shared>>
    tpu.wait_indirect_dma semaphore(%arg22 : memref<!tpu.dma_semaphore, #tpu.memory_space<semaphore_mem>>) src(%dma_wait3A_606 : memref<288x128xf32, #tpu.memory_space<vmem_shared>>) dst(%dma_wait3A_600 : memref<64x128xf32, #tpu.memory_space<vmem>>)
    %add3A_607 = arith.constant 25472 : i32
    %add3A_608 = arith.addi %mul3A_2, %add3A_607 : i32
    %dma_start3A_609 = arith.constant 0 : i32
    %dma_start3A_610 = tpu.memref_slice %arg4[%add3A_608, %dma_start3A_609] : memref<819200x128xf32, #tpu.memory_space<hbm>> -> memref<64x128xf32, #tpu.memory_space<hbm>>
    %dma_start3A_611 = arith.constant 0 : i32
    %dma_start3A_612 = tpu.memref_slice %arg4[%add3A_608, %dma_start3A_611] : memref<819200x128xf32, #tpu.memory_space<hbm>> -> memref<64x128xf32, #tpu.memory_space<hbm>>
    tpu.enqueue_dma source(%arg14 : memref<64x128xf32, #tpu.memory_space<vmem>>) target(%dma_start3A_612 : memref<64x128xf32, #tpu.memory_space<hbm>>) target_semaphore(%arg30 : memref<!tpu.dma_semaphore, #tpu.memory_space<semaphore_mem>>)
    %dma_wait3A_613 = arith.constant 7 : i32
    %dma_wait3A_614 = arith.constant 0 : i32
    %dma_wait3A_615 = arith.constant 0 : i32
    %dma_wait3A_616 = tpu.memref_slice %arg15[%dma_wait3A_614, %dma_wait3A_615] : memref<64x128xf32, #tpu.memory_space<vmem>> -> memref<64x128xf32, #tpu.memory_space<vmem>>
    %dma_wait3A_617 = arith.constant 0 : i32
    %dma_wait3A_618 = tpu.memref_slice %arg7[%dma_wait3A_613, %dma_wait3A_617] : memref<8x64xi32, #tpu.memory_space<vmem>> -> memref<1x64xi32, #tpu.memory_space<vmem>>
    %dma_wait3A_619 = tpu.memref_squeeze %dma_wait3A_618 : memref<1x64xi32, #tpu.memory_space<vmem>> -> memref<64xi32, #tpu.memory_space<vmem>>
    %dma_wait3A_620 = arith.constant 0 : i32
    %dma_wait3A_621 = arith.constant 0 : i32
    %dma_wait3A_622 = tpu.memref_slice %arg5[%dma_wait3A_620, %dma_wait3A_621] : memref<288x128xf32, #tpu.memory_space<vmem_shared>> -> memref<288x128xf32, #tpu.memory_space<vmem_shared>>
    tpu.wait_indirect_dma semaphore(%arg23 : memref<!tpu.dma_semaphore, #tpu.memory_space<semaphore_mem>>) src(%dma_wait3A_622 : memref<288x128xf32, #tpu.memory_space<vmem_shared>>) dst(%dma_wait3A_616 : memref<64x128xf32, #tpu.memory_space<vmem>>)
    %add3A_623 = arith.constant 25536 : i32
    %add3A_624 = arith.addi %mul3A_2, %add3A_623 : i32
    %dma_start3A_625 = arith.constant 0 : i32
    %dma_start3A_626 = tpu.memref_slice %arg4[%add3A_624, %dma_start3A_625] : memref<819200x128xf32, #tpu.memory_space<hbm>> -> memref<64x128xf32, #tpu.memory_space<hbm>>
    %dma_start3A_627 = arith.constant 0 : i32
    %dma_start3A_628 = tpu.memref_slice %arg4[%add3A_624, %dma_start3A_627] : memref<819200x128xf32, #tpu.memory_space<hbm>> -> memref<64x128xf32, #tpu.memory_space<hbm>>
    tpu.enqueue_dma source(%arg15 : memref<64x128xf32, #tpu.memory_space<vmem>>) target(%dma_start3A_628 : memref<64x128xf32, #tpu.memory_space<hbm>>) target_semaphore(%arg31 : memref<!tpu.dma_semaphore, #tpu.memory_space<semaphore_mem>>)
    %add3A_629 = arith.constant 25088 : i32
    %add3A_630 = arith.addi %mul3A_2, %add3A_629 : i32
    %dma_wait3A_631 = arith.constant 0 : i32
    %dma_wait3A_632 = tpu.memref_slice %arg4[%add3A_630, %dma_wait3A_631] : memref<819200x128xf32, #tpu.memory_space<hbm>> -> memref<64x128xf32, #tpu.memory_space<hbm>>
    %dma_wait3A_633 = arith.constant 0 : i32
    %dma_wait3A_634 = tpu.memref_slice %arg4[%add3A_630, %dma_wait3A_633] : memref<819200x128xf32, #tpu.memory_space<hbm>> -> memref<64x128xf32, #tpu.memory_space<hbm>>
    tpu.wait_dma2 semaphore(%arg24 : memref<!tpu.dma_semaphore, #tpu.memory_space<semaphore_mem>>) src(%arg8 : memref<64x128xf32, #tpu.memory_space<vmem>>) dst(%dma_wait3A_634 : memref<64x128xf32, #tpu.memory_space<hbm>>)
    %add3A_635 = arith.constant 25152 : i32
    %add3A_636 = arith.addi %mul3A_2, %add3A_635 : i32
    %dma_wait3A_637 = arith.constant 0 : i32
    %dma_wait3A_638 = tpu.memref_slice %arg4[%add3A_636, %dma_wait3A_637] : memref<819200x128xf32, #tpu.memory_space<hbm>> -> memref<64x128xf32, #tpu.memory_space<hbm>>
    %dma_wait3A_639 = arith.constant 0 : i32
    %dma_wait3A_640 = tpu.memref_slice %arg4[%add3A_636, %dma_wait3A_639] : memref<819200x128xf32, #tpu.memory_space<hbm>> -> memref<64x128xf32, #tpu.memory_space<hbm>>
    tpu.wait_dma2 semaphore(%arg25 : memref<!tpu.dma_semaphore, #tpu.memory_space<semaphore_mem>>) src(%arg9 : memref<64x128xf32, #tpu.memory_space<vmem>>) dst(%dma_wait3A_640 : memref<64x128xf32, #tpu.memory_space<hbm>>)
    %add3A_641 = arith.constant 25216 : i32
    %add3A_642 = arith.addi %mul3A_2, %add3A_641 : i32
    %dma_wait3A_643 = arith.constant 0 : i32
    %dma_wait3A_644 = tpu.memref_slice %arg4[%add3A_642, %dma_wait3A_643] : memref<819200x128xf32, #tpu.memory_space<hbm>> -> memref<64x128xf32, #tpu.memory_space<hbm>>
    %dma_wait3A_645 = arith.constant 0 : i32
    %dma_wait3A_646 = tpu.memref_slice %arg4[%add3A_642, %dma_wait3A_645] : memref<819200x128xf32, #tpu.memory_space<hbm>> -> memref<64x128xf32, #tpu.memory_space<hbm>>
    tpu.wait_dma2 semaphore(%arg26 : memref<!tpu.dma_semaphore, #tpu.memory_space<semaphore_mem>>) src(%arg10 : memref<64x128xf32, #tpu.memory_space<vmem>>) dst(%dma_wait3A_646 : memref<64x128xf32, #tpu.memory_space<hbm>>)
    %add3A_647 = arith.constant 25280 : i32
    %add3A_648 = arith.addi %mul3A_2, %add3A_647 : i32
    %dma_wait3A_649 = arith.constant 0 : i32
    %dma_wait3A_650 = tpu.memref_slice %arg4[%add3A_648, %dma_wait3A_649] : memref<819200x128xf32, #tpu.memory_space<hbm>> -> memref<64x128xf32, #tpu.memory_space<hbm>>
    %dma_wait3A_651 = arith.constant 0 : i32
    %dma_wait3A_652 = tpu.memref_slice %arg4[%add3A_648, %dma_wait3A_651] : memref<819200x128xf32, #tpu.memory_space<hbm>> -> memref<64x128xf32, #tpu.memory_space<hbm>>
    tpu.wait_dma2 semaphore(%arg27 : memref<!tpu.dma_semaphore, #tpu.memory_space<semaphore_mem>>) src(%arg11 : memref<64x128xf32, #tpu.memory_space<vmem>>) dst(%dma_wait3A_652 : memref<64x128xf32, #tpu.memory_space<hbm>>)
    %add3A_653 = arith.constant 25344 : i32
    %add3A_654 = arith.addi %mul3A_2, %add3A_653 : i32
    %dma_wait3A_655 = arith.constant 0 : i32
    %dma_wait3A_656 = tpu.memref_slice %arg4[%add3A_654, %dma_wait3A_655] : memref<819200x128xf32, #tpu.memory_space<hbm>> -> memref<64x128xf32, #tpu.memory_space<hbm>>
    %dma_wait3A_657 = arith.constant 0 : i32
    %dma_wait3A_658 = tpu.memref_slice %arg4[%add3A_654, %dma_wait3A_657] : memref<819200x128xf32, #tpu.memory_space<hbm>> -> memref<64x128xf32, #tpu.memory_space<hbm>>
    tpu.wait_dma2 semaphore(%arg28 : memref<!tpu.dma_semaphore, #tpu.memory_space<semaphore_mem>>) src(%arg12 : memref<64x128xf32, #tpu.memory_space<vmem>>) dst(%dma_wait3A_658 : memref<64x128xf32, #tpu.memory_space<hbm>>)
    %add3A_659 = arith.constant 25408 : i32
    %add3A_660 = arith.addi %mul3A_2, %add3A_659 : i32
    %dma_wait3A_661 = arith.constant 0 : i32
    %dma_wait3A_662 = tpu.memref_slice %arg4[%add3A_660, %dma_wait3A_661] : memref<819200x128xf32, #tpu.memory_space<hbm>> -> memref<64x128xf32, #tpu.memory_space<hbm>>
    %dma_wait3A_663 = arith.constant 0 : i32
    %dma_wait3A_664 = tpu.memref_slice %arg4[%add3A_660, %dma_wait3A_663] : memref<819200x128xf32, #tpu.memory_space<hbm>> -> memref<64x128xf32, #tpu.memory_space<hbm>>
    tpu.wait_dma2 semaphore(%arg29 : memref<!tpu.dma_semaphore, #tpu.memory_space<semaphore_mem>>) src(%arg13 : memref<64x128xf32, #tpu.memory_space<vmem>>) dst(%dma_wait3A_664 : memref<64x128xf32, #tpu.memory_space<hbm>>)
    %add3A_665 = arith.constant 25472 : i32
    %add3A_666 = arith.addi %mul3A_2, %add3A_665 : i32
    %dma_wait3A_667 = arith.constant 0 : i32
    %dma_wait3A_668 = tpu.memref_slice %arg4[%add3A_666, %dma_wait3A_667] : memref<819200x128xf32, #tpu.memory_space<hbm>> -> memref<64x128xf32, #tpu.memory_space<hbm>>
    %dma_wait3A_669 = arith.constant 0 : i32
    %dma_wait3A_670 = tpu.memref_slice %arg4[%add3A_666, %dma_wait3A_669] : memref<819200x128xf32, #tpu.memory_space<hbm>> -> memref<64x128xf32, #tpu.memory_space<hbm>>
    tpu.wait_dma2 semaphore(%arg30 : memref<!tpu.dma_semaphore, #tpu.memory_space<semaphore_mem>>) src(%arg14 : memref<64x128xf32, #tpu.memory_space<vmem>>) dst(%dma_wait3A_670 : memref<64x128xf32, #tpu.memory_space<hbm>>)
    %add3A_671 = arith.constant 25536 : i32
    %add3A_672 = arith.addi %mul3A_2, %add3A_671 : i32
    %dma_wait3A_673 = arith.constant 0 : i32
    %dma_wait3A_674 = tpu.memref_slice %arg4[%add3A_672, %dma_wait3A_673] : memref<819200x128xf32, #tpu.memory_space<hbm>> -> memref<64x128xf32, #tpu.memory_space<hbm>>
    %dma_wait3A_675 = arith.constant 0 : i32
    %dma_wait3A_676 = tpu.memref_slice %arg4[%add3A_672, %dma_wait3A_675] : memref<819200x128xf32, #tpu.memory_space<hbm>> -> memref<64x128xf32, #tpu.memory_space<hbm>>
    tpu.wait_dma2 semaphore(%arg31 : memref<!tpu.dma_semaphore, #tpu.memory_space<semaphore_mem>>) src(%arg15 : memref<64x128xf32, #tpu.memory_space<vmem>>) dst(%dma_wait3A_676 : memref<64x128xf32, #tpu.memory_space<hbm>>)
    return
  }
}

</mosaic_0001>

<sc_bundles>
// kernel: kernel.3.cloned.1.call-start
scs
__scs_entry_jumppad:
0x0: {  	(pc) =	sbr.rel $0x88, $3  }
0x1: {  	(tag) =	ssettag $0x0;
	lr =	simm.s32 $0x1  }
0x2: {  	[smem:$0x3F9F] =	sst lr;
	_ =	strace $0xD0000000  }
0x3: {  	_ = 	snop  }
0x4: {  	_ = 	snop  }
0x5: {  	_ = 	snop  }
0x6: {  	_ = 	snop  }
0x7: {  	_ = 	snop  }
__scs_overlays_trampoline_lowered:
0x8: {  	[smem:$0x3FAE] =	sst s0  }
0x9: {  	[smem:$0x3FAF] =	sst s1  }
0xa: {  	[smem:$0x3FB0] =	sst s2  }
0xb: {  	[smem:$0x3FB1] =	sst s3  }
0xc: {  	[smem:$0x3FB2] =	sst s4  }
0xd: {  	[smem:$0x3FB3] =	sst s5  }
0xe: {  	[smem:$0x3FB4] =	sst s6  }
0xf: {  	[smem:$0x3FB5] =	sst s7  }
0x10: {  	[smem:$0x3FB6] =	sst s8  }
0x11: {  	[smem:$0x3FB7] =	sst s9;
	s0 =	simm.s32 @!p0 $0x0  }
0x12: {  	s1 =	sld [smem:$0x3F9D];
	s0 =	simm.s32 @p0 $0x1  }
0x13: {  	[smem:$0x3FB8] =	sst s0;
	s0 =	simm.s32 @!p1 $0x0  }
0x14: {  	s2 =	sld [smem:$0x3F9C];
	s0 =	simm.s32 @p1 $0x1  }
0x15: {  	[smem:$0x3FB9] =	sst s0;
	s0 =	simm.s32 @!p2 $0x0  }
0x16: {  	s3 =	sld [smem:$0x3FDB];
	s0 =	simm.s32 @p2 $0x1  }
0x17: {  	s4 =	simm.s32 $0x1BF5;
	[smem:$0x3FBB] =	sst s0  }
0x18: {  	s0 =	sld [smem:$0x3F9E];
	_ =	swait.ge [sflag:s4], $0x0  }
0x19: {  	s7 =	sld [smem:$0x3F9F]  }
0x1a: {  	s8 =	sadd.s32 $0xFFFFE003, lr  }
0x1b: {  	s9 =	sadd.s32 $0xFFFFFEF7, lr;
	s5 =	simm.s32 $0xFFFFFFFF;
	p2 =	slt.u32 s8, $0xFFFFF086  }
0x1c: {  	p1 =	slt.u32 s9, $0xF7A;
	s5 =	simm.s32 @!p2 $0x0  }
0x1d: {  	s5 =	simm.s32 @p1 $0x1;
	p0 =	seq.s32 s7, s2  }
0x1e: {  	s7 =	smul.u32 @!p0 $0xF7A, s2;
	p2 =	seq.s32 @!p0 s5, $0x0  }
0x1f: {  	s9 =	smul.u32 $0xF7A, s1;
	s8 =	simm.s32 @!p0 $0x1BF5;
	p2 =	por !p2, p0  }
0x20: {  	[sflag:s8] =	ssyncset.s32 @!p0 $0xFFFFF086;
	s6 =	sadd.s32 @!p0 s3, s7;
	s7 =	simm.s32 @!p0 $0x108  }
0x21: {  	s3 =	sadd.s32 s3, s9;
	s6 =	sadd.s32 @!p0 $0x88, s6;
	s7 =	simm.s32 @p2 $0x1082  }
0x22: {  	[simem:s7], [sflag:s8] =	dma.local @!p0 [hbm:s6], $0xF7A  }
0x23: {  	s9 =	sor.u32 $0xD0000000, s2;
	s6 =	simm.s32 $0x108;
	_ =	swait.ge @!p0 [sflag:s8], $0x0  }
0x24: {  	s3 =	sadd.s32 $0x88, s3;
	s6 =	simm.s32 @!p1 $0x1082;
	[sflag:s4] =	ssyncset.s32 $0xFFFFF086  }
0x25: {  	[simem:s6], [sflag:s4] =	dma.local [hbm:s3], $0xF7A  }
0x26: {  	[smem:$0x3F9F] =	sst s1;
	(tag) =	ssettag s2;
	_ =	strace s9  }
0x27: {  	s1 =	sld [smem:$0x3FAF]  }
0x28: {  	s2 =	sld [smem:$0x3FB0]  }
0x29: {  	s4 =	sld [smem:$0x3FB2]  }
0x2a: {  	p0 =	seq.s32 s5, $0x0;
	s5 =	sld [smem:$0x3FB3]  }
0x2b: {  	s6 =	sld [smem:$0x3FB4]  }
0x2c: {  	s7 =	sld [smem:$0x3FB5]  }
0x2d: {  	s3 =	simm.s32 $0x108;
	s8 =	sld [smem:$0x3FB6]  }
0x2e: {  	s3 =	simm.s32 @!p0 $0x1082;
	s9 =	sld [smem:$0x3FB7]  }
0x2f: {  	lr =	sadd.s32 s0, s3;
	s0 =	sld [smem:$0x3FAE]  }
0x30: {  	s3 =	sld [smem:$0x3FB1]  }
0x31: {  	[smem:$0x3FBA] =	sst s10  }
0x32: {  	s10 =	sld [smem:$0x3FB8];
	_ =	sdelay $0x3  }
0x33: {  	p0 =	seq.s32 s10, $0x1;
	s10 =	sld [smem:$0x3FBA];
	_ =	sdelay $0x3  }
0x34: {  	[smem:$0x3FBA] =	sst s10  }
0x35: {  	s10 =	sld [smem:$0x3FB9];
	_ =	sdelay $0x3  }
0x36: {  	p1 =	seq.s32 s10, $0x1;
	s10 =	sld [smem:$0x3FBA];
	_ =	sdelay $0x3  }
0x37: {  	[smem:$0x3FBA] =	sst s10  }
0x38: {  	s10 =	sld [smem:$0x3FBB]  }
0x39: {  	_ = 	snop;
	(pc) =	sbr.ind lr, $3  }
0x3a: {  	_ = 	snop  }
0x3b: {  	_ = 	snop  }
0x3c: {  	p2 =	seq.s32 s10, $0x1;
	s10 =	sld [smem:$0x3FBA]  }
0x3d: {  	_ =	shalt  }
0x3e: {  	_ =	shalt  }
0x3f: {  	_ =	shalt  }
0x40: {  	_ =	shalt  }
0x41: {  	_ =	shalt  }
0x42: {  	_ =	shalt  }
0x43: {  	_ =	shalt  }
0x44: {  	_ =	shalt  }
0x45: {  	_ =	shalt  }
0x46: {  	_ =	shalt  }
0x47: {  	_ =	shalt  }
0x48: {  	_ =	shalt  }
0x49: {  	_ =	shalt  }
0x4a: {  	_ =	shalt  }
0x4b: {  	_ =	shalt  }
0x4c: {  	_ =	shalt  }
0x4d: {  	_ =	shalt  }
0x4e: {  	_ =	shalt  }
0x4f: {  	_ =	shalt  }
0x50: {  	_ =	shalt  }
0x51: {  	_ =	shalt  }
0x52: {  	_ =	shalt  }
0x53: {  	_ =	shalt  }
0x54: {  	_ =	shalt  }
0x55: {  	_ =	shalt  }
0x56: {  	_ =	shalt  }
0x57: {  	_ =	shalt  }
0x58: {  	_ =	shalt  }
0x59: {  	_ =	shalt  }
0x5a: {  	_ =	shalt  }
0x5b: {  	_ =	shalt  }
0x5c: {  	_ =	shalt  }
0x5d: {  	_ =	shalt  }
0x5e: {  	_ =	shalt  }
0x5f: {  	_ =	shalt  }
0x60: {  	_ =	shalt  }
0x61: {  	_ =	shalt  }
0x62: {  	_ =	shalt  }
0x63: {  	_ =	shalt  }
0x64: {  	_ =	shalt  }
0x65: {  	_ =	shalt  }
0x66: {  	_ =	shalt  }
0x67: {  	_ =	shalt  }
0x68: {  	_ =	shalt  }
0x69: {  	_ =	shalt  }
0x6a: {  	_ =	shalt  }
0x6b: {  	_ =	shalt  }
0x6c: {  	_ =	shalt  }
0x6d: {  	_ =	shalt  }
0x6e: {  	_ =	shalt  }
0x6f: {  	_ =	shalt  }
0x70: {  	_ =	shalt  }
0x71: {  	_ =	shalt  }
0x72: {  	_ =	shalt  }
0x73: {  	_ =	shalt  }
0x74: {  	_ =	shalt  }
0x75: {  	_ =	shalt  }
0x76: {  	_ =	shalt  }
0x77: {  	_ =	shalt  }
0x78: {  	_ =	shalt  }
0x79: {  	_ =	shalt  }
0x7a: {  	_ =	shalt  }
0x7b: {  	_ =	shalt  }
0x7c: {  	_ =	shalt  }
0x7d: {  	_ =	shalt  }
0x7e: {  	_ =	shalt  }
0x7f: {  	_ =	shalt  }
0x80: {  	_ =	shalt  }
0x81: {  	_ =	shalt  }
0x82: {  	_ =	shalt  }
0x83: {  	_ =	shalt  }
0x84: {  	_ =	shalt  }
0x85: {  	_ =	shalt  }
0x86: {  	_ =	shalt  }
0x87: {  	_ =	shalt  }
.Lfunc_end0:
.L_simem_size_0:
called_computation_lowered:
.L_overlay_start_0:
0x88: {  	s2 =	sld [smem:$0x3FD9]  }
0x89: {  	s3 =	sld [smem:$0x3FFE];
	_ =	sdelay $0x1  }
0x8a: {  	s1 =	srdreg.scid  }
0x8b: {  	s0 =	sand.u32 $0x1, s1  }
0x8c: {  	s17 =	sshll.u32 s0, $0xA;
	s2 =	sadd.s32 s3, s2  }
0x8d: {  	s2 =	sadd.s32 s2, s17  }
0x8e: {  	[smem:$0x3FC6] =	sst s2  }
0x8f: {  	_ = 	snop  }
0x90: {  	s2 =	sld [smem:$0x3FC8]  }
0x91: {  	s18 =	sld [smem:$0x3FD0];
	(tm) =	ssettm $0x1  }
0x92: {  	s4 =	sld [smem:$0x3FFB];
	_ =	sdelay $0x3  }
0x93: {  	_ =	strace s4  }
0x94: {  	s4 =	sld [smem:$0x3FFC];
	_ =	sdelay $0x3  }
0x95: {  	_ =	strace s4  }
0x96: {  	s4 =	sld [smem:$0x3FFD];
	_ =	sdelay $0x3  }
0x97: {  	_ =	strace s4  }
0x98: {  	_ =	strace $0x8FFFFFFF  }
0x99: {  	s19 =	sld [smem:$0x3FDB];
	_ =	sdelay $0x1  }
0x9a: {  	s5 =	simm.s32 $_scs_section_size  }
0x9b: {  	s6 =	simm.s32 $_size__tile_overlayer_lowered;
	s7 =	simm.s32 $_tile_overlayer_lowered  }
0x9c: {  	s22 =	simm.s32 $0x1BFF;
	s21 =	sshll.u32 s7, $0x1;
	s4 =	sadd.s32 s5, s19  }
0x9d: {  	s8 =	simm.s32 $0x0;
	s20 =	sshll.u32 s6, $0x1;
	s6 =	sadd.s32 s21, s4  }
0x9e: {  	[timem:s8], [sflag:s22] =	dma.local [hbm:s6], s20  }
0x9f: {  	_ =	swait.ge [sflag:s22], s20  }
0xa0: {  	s5 =	ssub.s32 $0x0, s20;
	[sflag:s22] =	ssyncset.done $0x0  }
0xa1: {  	[sflag:s22] =	ssyncadd.s32 s5;
	_ =	sdelay $0x1  }
0xa2: {  	s23 =	simm.s32 $0x1B8B  }
0xa3: {  	_ =	swait.ge [sflag:s23], $0x1  }
0xa4: {  	[sflag:s23] =	ssyncset.done $0x0  }
0xa5: {  	s25 =	simm.s32 $0x1B8E;
	s24 =	sld [smem:$0x3FFE];
	[sflag:s23] =	ssyncadd.s32 $0xFFFFFFFF  }
0xa6: {  	s26 =	simm.s32 $execute0_lowered;
	[smem:$0x3FD2] =	sst s25  }
0xa7: {  	s6 =	sshll.u32 s26, $0x1;
	_ =	strace $0x80000046;
	[dreg:$0x1] =	wrdreg $0xFFFFFFFF  }
0xa8: {  	s28 =	simm.s32 $_size_execute0_lowered;
	s4 =	sadd.s32 s4, s6;
	[dreg:$0x0] =	wrdreg $0x0  }
0xa9: {  	s6 =	sshll.u32 s28, $0x1;
	[dreg:$0x2] =	wrdreg s4  }
0xaa: {  	[dreg:$0x3] =	wrdreg s6  }
0xab: {  	[dreg:$0x4] =	wrdreg $0xC0  }
0xac: {  	_ =	task [dreg:s8], $0x5FFFF  }
0xad: {  	[dreg:$0x1] =	wrdreg $0xFFFFFFFF  }
0xae: {  	[dreg:$0x0] =	wrdreg $0x60  }
0xaf: {  	[dreg:$0x2] =	wrdreg s24  }
0xb0: {  	[dreg:$0x3] =	wrdreg s2  }
0xb1: {  	[dreg:$0x4] =	wrdreg s18  }
0xb2: {  	[dreg:$0x5] =	wrdreg $0x0  }
0xb3: {  	[dreg:$0x6] =	wrdreg $0x9  }
0xb4: {  	_ =	task.clear_ibuf [dreg:s8], $0x7FFFF;
	_ =	strace $0x90000046  }
0xb5: {  	s29 =	simm.s32 $0x9;
	_ =	strace $0x80000048  }
0xb6: {  	_ =	swait.ge [sflag:s29], $0x1  }
0xb7: {  	[sflag:s29] =	ssyncadd.s32 $0xFFFFFFFF  }
0xb8: {  	_ =	strace $0x90000048  }
0xb9: {  	_ =	sfence  }
0xba: {  	s30 =	sld [smem:$0x0];
	_ =	sdelay $0x2  }
0xbb: {  	s31 =	sshll.u32 s1, $0xD;
	s1 =	sshrl.u32 s1, $0x2  }
0xbc: {  	s3 =	sand.u32 $0x4000, s31;
	s1 =	sadd.s32 s1, s30  }
0xbd: {  	s0 =	sor.u32 s3, s0;
	s1 =	sshll.u32 s1, $0x11  }
0xbe: {  	s0 =	sor.u32 s1, s0  }
0xbf: {  	s0 =	sadd.s32 $0x8F2B, s0  }
0xc0: {  	[sflag:s0] =	ssyncadd.remote.s32 $0x1  }
0xc1: {  	_ =	sfence.sel $0xFFFF  }
0xc2: {  	[dreg:$0x0] =	wrdreg $0xFFFFFFFF;
	(pc) =	sbr.abs _section_cstart, $3  }
0xc3: {  	[dreg:$0x1] =	wrdreg $0xFFFFFFFF  }
0xc4: {  	_ =	task.clear_ibuf [dreg:s8], $0x2FFFF;
	_ =	strace $0x9FFFFFFF  }
0xc5: {  	(tm) =	ssettm $0x7FFFFFFF  }
tec
execute0_lowered:
.L_overlay_start_1:
0x0: {  	(tag) =	ssettag $0x1  }
0x1: {  	s0 =	rddreg [dreg:$0x0]  }
0x2: {  	s1 =	rddreg [dreg:$0x1]  }
0x3: {  	s4 =	rddreg [dreg:$0x2]  }
0x4: {  	s3 =	srdreg.scid;
	s10 =	stileid.u32  }
0x5: {  	s2 =	rddreg [dreg:$0x3];
	s31 =	simm.s32 $0x6D00;
	s28 =	simm.s32 $0x6E80  }
0x6: {  	s30 =	simm.s32 $0xD100;
	s5 =	sand.u32 $0x1, s3;
	s6 =	sshll.u32 s10, $0x1  }
0x7: {  	s3 =	simm.s32 $0x0;
	s13 =	sshll.u32 s10, $0xC;
	s18 =	smul.u32 $0x640000, s10  }
0x8: {  	s14 =	sshll.u32 s10, $0x9;
	s25 =	smul.u32 $0xC8000, s10;
	p0 =	sgt.u32 s10, $0x8  }
0x9: {  	s6 =	sor.u32 s5, s6;
	[smem:$0x7FF] =	sst s3;
	s20 =	smul.u32 $0x320000, s5  }
0xa: {  	s8 =	ssub.s32 $0x2, s5;
	s1 =	sadd.s32 s1, s14;
	s5 =	smul.u32 $0x64000, s5  }
0xb: {  	s14 =	simm.s32 $0xA;
	s7 =	smul.u32 $0x6400, s6;
	_ =	strace $0x80000047  }
0xc: {  	s9 =	sshrl.u32 s8, $0x1;
	s6 =	smul.u32 $0x320000, s6;
	[dreg:$0x7] =	wrdreg s1  }
0xd: {  	s1 =	sadd.s32 s25, s4;
	s25 =	simm.s32 $0xB100;
	s12 =	ssub.s32 s8, s9  }
0xe: {  	s8 =	sadd.s32 s13, s2;
	s24 =	sadd.s32 s20, s18;
	s29 =	sadd.s32 s5, s1  }
0xf: {  	s1 =	sshll.u32 @!p0 s10, $0x6;
	s7 =	sshrl.u32 s7, $0x3;
	s6 =	sshrl.u32 s6, $0x3  }
0x10: {  	s26 =	smax.u32 s12, $0x1;
	[dreg:$0x6] =	wrdreg s29;
	s0 =	sadd.s32 s7, s0  }
0x11: {  	s15 =	sadd.s32 s4, s6;
	[dreg:$0x11] =	wrdreg s26;
	s0 =	sadd.s32 $0x400, s0  }
0x12: {  	s5 =	simm.s32 $0x6F80;
	s16 =	sadd.s32 $0x62000, s15;
	[dreg:$0x8] =	wrdreg s0  }
0x13: {  	s9 =	simm.s32 $0x7080;
	s17 =	sadd.s32 $0x62400, s15;
	[dreg:$0x9] =	wrdreg s16  }
0x14: {  	s10 =	simm.s32 $0x15100;
	s6 =	sadd.s32 $0x62800, s15;
	[dreg:$0xa] =	wrdreg s17  }
0x15: {  	s13 =	simm.s32 $0x2;
	s19 =	sadd.s32 $0x62C00, s15;
	[dreg:$0xb] =	wrdreg s6  }
0x16: {  	s18 =	simm.s32 $0x4;
	s21 =	sadd.s32 $0x63000, s15;
	[dreg:$0xc] =	wrdreg s19  }
0x17: {  	s20 =	simm.s32 $0x8;
	s22 =	sadd.s32 $0x63400, s15;
	[dreg:$0xd] =	wrdreg s21  }
0x18: {  	s12 =	simm.s32 $0x9;
	s23 =	sadd.s32 $0x63800, s15;
	[dreg:$0xe] =	wrdreg s22  }
0x19: {  	s7 =	simm.s32 $0x7000;
	s26 =	simm.s32 $0x6;
	[dreg:$0xf] =	wrdreg s23  }
0x1a: {  	s0 =	sadd.s32 $0x63C00, s15;
	s19 =	simm.s32 $0x40;
	s23 =	simm.s32 $0x7100  }
0x1b: {  	s21 =	simm.s32 $0x9100;
	s17 =	simm.s32 $0xF100;
	s6 =	simm.s32 $0x11100  }
0x1c: {  	s15 =	simm.s32 $0x3;
	[dreg:$0x10] =	wrdreg s0;
	s0 =	sshrl.u32 s24, $0x3  }
0x1d: {  	s16 =	simm.s32 $0xB;
	s22 =	simm.s32 $0x5;
	s0 =	sadd.s32 s0, s4  }
0x1e: {  	s24 =	simm.s32 $0x7;
	[dreg:$0x5] =	wrdreg s0;
	s0 =	sor.u32 @!p0 $0x1C11, s1  }
0x1f: {  	s4 =	simm.s32 $0x0;
	[dreg:$0x12] =	wrdreg s0;
	s0 =	sshrl.u32 @!p0 s8, $0x3  }
0x20: {  	s1 =	simm.s32 $0x6F00;
	s8 =	simm.s32 $0x13100;
	[dreg:$0x13] =	wrdreg s0  }
.LBB2_1:
0x21: {  	[dreg:$0x14] =	wrdreg s4  }
0x22: {  	s0 =	rddreg [dreg:$0x7]  }
0x23: {  	s4 =	rddreg [dreg:$0x12]  }
0x24: {  	s29 =	rddreg [dreg:$0x13]  }
0x25: {  	[spmem:s29], [sflag:s4] =	dma.local @!p0 [hbm:s0], $0x200  }
0x26: {  	s0 =	simm.s32 @!p0 $0x11  }
0x27: {  	_ =	swait.ge @!p0 [sflag:s0], $0x200  }
0x28: {  	[sflag:s0] =	ssyncset.done @!p0 $0x0  }
0x29: {  	s4 =	simm.s32 $0x900;
	[sflag:s0] =	ssyncadd.s32 @!p0 $0xFFFFFE00;
	s0 =	rddreg [dreg:$0x8]  }
0x2a: {  	[tilespmem:s4], [sflag:$0x11] =	stream.linear.gather [hbm4b:s0+s3], $0x6400, $0x38;
	[tilespmem:$0x17100] =	vst v63  }
0x2b: {  	s4 =	simm.s32 $0x11  }
0x2c: {  	_ =	swait.ge [sflag:s4], $0x6400  }
0x2d: {  	[sflag:s4] =	ssyncset.done $0x0  }
0x2e: {  	[sflag:s4] =	ssyncadd.s32 $0xFFFF9C00  }
0x2f: {  	[bflag:$0x0] =	sbarrier.arrive $0xFFFF  }
0x30: {  	v0 =	vld [tilespmem:$0x900]  }
0x31: {  	v1 =	vld [tilespmem:$0x910]  }
0x32: {  	v2 =	vld [tilespmem:$0x920]  }
0x33: {  	v3 =	vld [tilespmem:$0x930];
	_ =	sdelay $0x2  }
0x34: {  	v0 =	vmul.f32 $2.880000000e+02, v0  }
0x35: {  	v1 =	vmul.f32 $2.880000000e+02, v1;
	v2 =	vmul.f32 $2.880000000e+02, v2  }
0x36: {  	v3 =	vmul.f32 $2.880000000e+02, v3;
	v0 =	vtrunc.f32 v0  }
0x37: {  	v1 =	vtrunc.f32 v1;
	v0 =	vcvt.f32.s32 v0  }
0x38: {  	v2 =	vtrunc.f32 v2;
	v1 =	vcvt.f32.s32 v1  }
0x39: {  	v13 =	vtrunc.f32 v3;
	v12 =	vcvt.f32.s32 v2;
	[tilespmem:$0x6D00] =	vst v0  }
0x3a: {  	v14 =	vcvt.f32.s32 v13;
	[tilespmem:$0x6D10] =	vst v1  }
0x3b: {  	[tilespmem:$0x6D20] =	vst v12  }
0x3c: {  	[tilespmem:$0x6D30] =	vst v14  }
0x3d: {  	[tilespmem:s23], [sflag:$0x1] =	stream.indirect.gather [spmem:s2], $0x80, s31, s19, $0xb8;
	[tilespmem:$0x17100] =	vst v63  }
0x3e: {  	v15 =	vld [tilespmem:$0x940]  }
0x3f: {  	v16 =	vld [tilespmem:$0x950]  }
0x40: {  	v17 =	vld [tilespmem:$0x960]  }
0x41: {  	v18 =	vld [tilespmem:$0x970];
	_ =	sdelay $0x2  }
0x42: {  	v0 =	vmul.f32 $2.880000000e+02, v15  }
0x43: {  	v1 =	vmul.f32 $2.880000000e+02, v16;
	v2 =	vmul.f32 $2.880000000e+02, v17  }
0x44: {  	v3 =	vmul.f32 $2.880000000e+02, v18;
	v0 =	vtrunc.f32 v0  }
0x45: {  	v1 =	vtrunc.f32 v1;
	v0 =	vcvt.f32.s32 v0  }
0x46: {  	v2 =	vtrunc.f32 v2;
	v1 =	vcvt.f32.s32 v1  }
0x47: {  	v20 =	vtrunc.f32 v3;
	v19 =	vcvt.f32.s32 v2;
	[tilespmem:$0x6D80] =	vst v0  }
0x48: {  	v21 =	vcvt.f32.s32 v20;
	[tilespmem:$0x6D90] =	vst v1  }
0x49: {  	[tilespmem:$0x6DA0] =	vst v19  }
0x4a: {  	s4 =	simm.s32 $0x6D80;
	[tilespmem:$0x6DB0] =	vst v21  }
0x4b: {  	[tilespmem:s21], [sflag:$0x2] =	stream.indirect.gather [spmem:s2], $0x80, s4, s19, $0xb8;
	[tilespmem:$0x17100] =	vst v63  }
0x4c: {  	v22 =	vld [tilespmem:$0x980]  }
0x4d: {  	v23 =	vld [tilespmem:$0x990]  }
0x4e: {  	v24 =	vld [tilespmem:$0x9A0]  }
0x4f: {  	v25 =	vld [tilespmem:$0x9B0];
	_ =	sdelay $0x2  }
0x50: {  	v0 =	vmul.f32 $2.880000000e+02, v22  }
0x51: {  	v1 =	vmul.f32 $2.880000000e+02, v23;
	v2 =	vmul.f32 $2.880000000e+02, v24  }
0x52: {  	v3 =	vmul.f32 $2.880000000e+02, v25;
	v0 =	vtrunc.f32 v0  }
0x53: {  	v1 =	vtrunc.f32 v1;
	v0 =	vcvt.f32.s32 v0  }
0x54: {  	v2 =	vtrunc.f32 v2;
	v1 =	vcvt.f32.s32 v1  }
0x55: {  	v27 =	vtrunc.f32 v3;
	v26 =	vcvt.f32.s32 v2;
	[tilespmem:$0x6E00] =	vst v0  }
0x56: {  	v28 =	vcvt.f32.s32 v27;
	[tilespmem:$0x6E10] =	vst v1  }
0x57: {  	[tilespmem:$0x6E20] =	vst v26  }
0x58: {  	s23 =	simm.s32 $0x6E00;
	[tilespmem:$0x6E30] =	vst v28  }
0x59: {  	[tilespmem:s25], [sflag:$0x3] =	stream.indirect.gather [spmem:s2], $0x80, s23, s19, $0xb8;
	[tilespmem:$0x17100] =	vst v63  }
0x5a: {  	v29 =	vld [tilespmem:$0x9C0]  }
0x5b: {  	v30 =	vld [tilespmem:$0x9D0]  }
0x5c: {  	v31 =	vld [tilespmem:$0x9E0]  }
0x5d: {  	v32 =	vld [tilespmem:$0x9F0];
	_ =	sdelay $0x2  }
0x5e: {  	v0 =	vmul.f32 $2.880000000e+02, v29  }
0x5f: {  	v1 =	vmul.f32 $2.880000000e+02, v30;
	v2 =	vmul.f32 $2.880000000e+02, v31  }
0x60: {  	v3 =	vmul.f32 $2.880000000e+02, v32;
	v0 =	vtrunc.f32 v0  }
0x61: {  	v1 =	vtrunc.f32 v1;
	v0 =	vcvt.f32.s32 v0  }
0x62: {  	v2 =	vtrunc.f32 v2;
	v1 =	vcvt.f32.s32 v1  }
0x63: {  	v34 =	vtrunc.f32 v3;
	v33 =	vcvt.f32.s32 v2;
	[tilespmem:$0x6E80] =	vst v0  }
0x64: {  	v35 =	vcvt.f32.s32 v34;
	[tilespmem:$0x6E90] =	vst v1  }
0x65: {  	[tilespmem:$0x6EA0] =	vst v33  }
0x66: {  	[tilespmem:$0x6EB0] =	vst v35  }
0x67: {  	[tilespmem:s30], [sflag:$0x4] =	stream.indirect.gather [spmem:s2], $0x80, s28, s19, $0xb8;
	[tilespmem:$0x17100] =	vst v63  }
0x68: {  	v36 =	vld [tilespmem:$0xA00]  }
0x69: {  	v37 =	vld [tilespmem:$0xA10]  }
0x6a: {  	v38 =	vld [tilespmem:$0xA20]  }
0x6b: {  	v39 =	vld [tilespmem:$0xA30];
	_ =	sdelay $0x2  }
0x6c: {  	v0 =	vmul.f32 $2.880000000e+02, v36  }
0x6d: {  	v1 =	vmul.f32 $2.880000000e+02, v37;
	v2 =	vmul.f32 $2.880000000e+02, v38  }
0x6e: {  	v3 =	vmul.f32 $2.880000000e+02, v39;
	v0 =	vtrunc.f32 v0  }
0x6f: {  	v1 =	vtrunc.f32 v1;
	v0 =	vcvt.f32.s32 v0  }
0x70: {  	v2 =	vtrunc.f32 v2;
	v1 =	vcvt.f32.s32 v1  }
0x71: {  	v41 =	vtrunc.f32 v3;
	v40 =	vcvt.f32.s32 v2;
	[tilespmem:$0x6F00] =	vst v0  }
0x72: {  	v42 =	vcvt.f32.s32 v41;
	[tilespmem:$0x6F10] =	vst v1  }
0x73: {  	[tilespmem:$0x6F20] =	vst v40  }
0x74: {  	[tilespmem:$0x6F30] =	vst v42  }
0x75: {  	[tilespmem:s17], [sflag:$0x5] =	stream.indirect.gather [spmem:s2], $0x80, s1, s19, $0xb8;
	[tilespmem:$0x17100] =	vst v63  }
0x76: {  	v43 =	vld [tilespmem:$0xA40]  }
0x77: {  	v44 =	vld [tilespmem:$0xA50]  }
0x78: {  	v45 =	vld [tilespmem:$0xA60]  }
0x79: {  	v46 =	vld [tilespmem:$0xA70];
	_ =	sdelay $0x2  }
0x7a: {  	v0 =	vmul.f32 $2.880000000e+02, v43  }
0x7b: {  	v1 =	vmul.f32 $2.880000000e+02, v44;
	v2 =	vmul.f32 $2.880000000e+02, v45  }
0x7c: {  	v3 =	vmul.f32 $2.880000000e+02, v46;
	v0 =	vtrunc.f32 v0  }
0x7d: {  	v1 =	vtrunc.f32 v1;
	v0 =	vcvt.f32.s32 v0  }
0x7e: {  	v2 =	vtrunc.f32 v2;
	v1 =	vcvt.f32.s32 v1  }
0x7f: {  	v48 =	vtrunc.f32 v3;
	v47 =	vcvt.f32.s32 v2;
	[tilespmem:$0x6F80] =	vst v0  }
0x80: {  	v49 =	vcvt.f32.s32 v48;
	[tilespmem:$0x6F90] =	vst v1  }
0x81: {  	[tilespmem:$0x6FA0] =	vst v47  }
0x82: {  	[tilespmem:$0x6FB0] =	vst v49  }
0x83: {  	[tilespmem:s6], [sflag:$0x6] =	stream.indirect.gather [spmem:s2], $0x80, s5, s19, $0xb8;
	[tilespmem:$0x17100] =	vst v63  }
0x84: {  	v50 =	vld [tilespmem:$0xA80]  }
0x85: {  	v51 =	vld [tilespmem:$0xA90]  }
0x86: {  	v52 =	vld [tilespmem:$0xAA0]  }
0x87: {  	v53 =	vld [tilespmem:$0xAB0];
	_ =	sdelay $0x2  }
0x88: {  	v0 =	vmul.f32 $2.880000000e+02, v50  }
0x89: {  	v1 =	vmul.f32 $2.880000000e+02, v51;
	v2 =	vmul.f32 $2.880000000e+02, v52  }
0x8a: {  	v3 =	vmul.f32 $2.880000000e+02, v53;
	v0 =	vtrunc.f32 v0  }
0x8b: {  	v1 =	vtrunc.f32 v1;
	v0 =	vcvt.f32.s32 v0  }
0x8c: {  	v2 =	vtrunc.f32 v2;
	v1 =	vcvt.f32.s32 v1  }
0x8d: {  	v55 =	vtrunc.f32 v3;
	v54 =	vcvt.f32.s32 v2;
	[tilespmem:$0x7000] =	vst v0  }
0x8e: {  	v56 =	vcvt.f32.s32 v55;
	[tilespmem:$0x7010] =	vst v1  }
0x8f: {  	[tilespmem:$0x7020] =	vst v54  }
0x90: {  	[tilespmem:$0x7030] =	vst v56  }
0x91: {  	[tilespmem:s8], [sflag:$0x7] =	stream.indirect.gather [spmem:s2], $0x80, s7, s19, $0xb8;
	[tilespmem:$0x17100] =	vst v63  }
0x92: {  	v57 =	vld [tilespmem:$0xAC0]  }
0x93: {  	v58 =	vld [tilespmem:$0xAD0]  }
0x94: {  	v59 =	vld [tilespmem:$0xAE0]  }
0x95: {  	v60 =	vld [tilespmem:$0xAF0];
	_ =	sdelay $0x2  }
0x96: {  	v0 =	vmul.f32 $2.880000000e+02, v57  }
0x97: {  	v1 =	vmul.f32 $2.880000000e+02, v58;
	v2 =	vmul.f32 $2.880000000e+02, v59  }
0x98: {  	v3 =	vmul.f32 $2.880000000e+02, v60;
	v0 =	vtrunc.f32 v0  }
0x99: {  	v1 =	vtrunc.f32 v1;
	v0 =	vcvt.f32.s32 v0  }
0x9a: {  	v2 =	vtrunc.f32 v2;
	v1 =	vcvt.f32.s32 v1  }
0x9b: {  	v62 =	vtrunc.f32 v3;
	v61 =	vcvt.f32.s32 v2;
	[tilespmem:$0x7080] =	vst v0  }
0x9c: {  	v63 =	vcvt.f32.s32 v62;
	[tilespmem:$0x7090] =	vst v1  }
0x9d: {  	[tilespmem:$0x70A0] =	vst v61  }
0x9e: {  	s11 =	simm.s32 $0x1;
	s29 =	simm.s32 $0xCF0;
	s31 =	simm.s32 $0x0;
	[tilespmem:$0x70B0] =	vst v63  }
0x9f: {  	[tilespmem:s10], [sflag:$0x8] =	stream.indirect.gather [spmem:s2], $0x80, s9, s19, $0xb8;
	[tilespmem:$0x17100] =	vst v63  }
.LBB2_2:
0xa0: {  	_ =	swait.ge [sflag:s11], $0x2000  }
0xa1: {  	s0 =	rddreg [dreg:$0x5];
	[sflag:s11] =	ssyncset.done $0x0  }
0xa2: {  	s4 =	simm.s32 $0x7100;
	[sflag:s11] =	ssyncadd.s32 $0xFFFFE000;
	s0 =	sadd.s32 s31, s0  }
0xa3: {  	[hbm4b:s0+s3] =	stream.linear.scatter [tilespmem:s4], [sflag:$0x9], $0x2000, $0x38;
	[tilespmem:$0x17100] =	vst v63  }
0xa4: {  	v0 =	vld [tilespmem:s29+$0xFFFFFE10];
	_ =	sdelay $0x4  }
0xa5: {  	v0 =	vmul.f32 $2.880000000e+02, v0;
	_ =	sdelay $0x1  }
0xa6: {  	v0 =	vtrunc.f32 v0  }
0xa7: {  	v0 =	vcvt.f32.s32 v0;
	_ =	sdelay $0x1  }
0xa8: {  	[tilespmem:$0x6D00] =	vst v0  }
0xa9: {  	v0 =	vld [tilespmem:s29+$0xFFFFFE20];
	_ =	sdelay $0x4  }
0xaa: {  	v0 =	vmul.f32 $2.880000000e+02, v0;
	_ =	sdelay $0x1  }
0xab: {  	v0 =	vtrunc.f32 v0  }
0xac: {  	v0 =	vcvt.f32.s32 v0;
	_ =	sdelay $0x1  }
0xad: {  	[tilespmem:$0x6D10] =	vst v0  }
0xae: {  	v0 =	vld [tilespmem:s29+$0xFFFFFE30];
	_ =	sdelay $0x4  }
0xaf: {  	v0 =	vmul.f32 $2.880000000e+02, v0;
	_ =	sdelay $0x1  }
0xb0: {  	v0 =	vtrunc.f32 v0  }
0xb1: {  	v0 =	vcvt.f32.s32 v0;
	_ =	sdelay $0x1  }
0xb2: {  	[tilespmem:$0x6D20] =	vst v0  }
0xb3: {  	v0 =	vld [tilespmem:s29+$0xFFFFFE40];
	_ =	sdelay $0x4  }
0xb4: {  	v0 =	vmul.f32 $2.880000000e+02, v0;
	_ =	sdelay $0x1  }
0xb5: {  	v0 =	vtrunc.f32 v0  }
0xb6: {  	v0 =	vcvt.f32.s32 v0;
	_ =	sdelay $0x1  }
0xb7: {  	[tilespmem:$0x6D30] =	vst v0  }
0xb8: {  	_ =	swait.ge [sflag:s12], $0x2000  }
0xb9: {  	[sflag:s12] =	ssyncset.done $0x0  }
0xba: {  	s5 =	simm.s32 $0x6D00;
	[sflag:s12] =	ssyncadd.s32 $0xFFFFE000  }
0xbb: {  	[tilespmem:s4], [sflag:$0x1] =	stream.indirect.gather [spmem:s2], $0x80, s5, s19, $0xb8;
	[tilespmem:$0x17100] =	vst v63  }
0xbc: {  	_ =	swait.ge [sflag:s13], $0x2000  }
0xbd: {  	s6 =	rddreg [dreg:$0x6]  }
0xbe: {  	[sflag:s13] =	ssyncset.done $0x0;
	s0 =	sadd.s32 s31, s6  }
0xbf: {  	s25 =	simm.s32 $0x9100;
	[sflag:s13] =	ssyncadd.s32 $0xFFFFE000;
	s7 =	sadd.s32 $0x400, s0  }
0xc0: {  	[hbm4b:s7+s3] =	stream.linear.scatter [tilespmem:s25], [sflag:$0xA], $0x2000, $0x38;
	[tilespmem:$0x17100] =	vst v63  }
0xc1: {  	v57 =	vld [tilespmem:s29+$0xFFFFFE50];
	_ =	sdelay $0x4  }
0xc2: {  	v0 =	vmul.f32 $2.880000000e+02, v57;
	_ =	sdelay $0x1  }
0xc3: {  	v0 =	vtrunc.f32 v0  }
0xc4: {  	v0 =	vcvt.f32.s32 v0;
	_ =	sdelay $0x1  }
0xc5: {  	[tilespmem:$0x6D80] =	vst v0  }
0xc6: {  	v0 =	vld [tilespmem:s29+$0xFFFFFE60];
	_ =	sdelay $0x4  }
0xc7: {  	v0 =	vmul.f32 $2.880000000e+02, v0;
	_ =	sdelay $0x1  }
0xc8: {  	v0 =	vtrunc.f32 v0  }
0xc9: {  	v0 =	vcvt.f32.s32 v0;
	_ =	sdelay $0x1  }
0xca: {  	[tilespmem:$0x6D90] =	vst v0  }
0xcb: {  	v0 =	vld [tilespmem:s29+$0xFFFFFE70];
	_ =	sdelay $0x4  }
0xcc: {  	v0 =	vmul.f32 $2.880000000e+02, v0;
	_ =	sdelay $0x1  }
0xcd: {  	v0 =	vtrunc.f32 v0  }
0xce: {  	v0 =	vcvt.f32.s32 v0;
	_ =	sdelay $0x1  }
0xcf: {  	[tilespmem:$0x6DA0] =	vst v0  }
0xd0: {  	v0 =	vld [tilespmem:s29+$0xFFFFFE80];
	_ =	sdelay $0x4  }
0xd1: {  	v0 =	vmul.f32 $2.880000000e+02, v0;
	_ =	sdelay $0x1  }
0xd2: {  	v0 =	vtrunc.f32 v0  }
0xd3: {  	v0 =	vcvt.f32.s32 v0;
	_ =	sdelay $0x1  }
0xd4: {  	[tilespmem:$0x6DB0] =	vst v0  }
0xd5: {  	_ =	swait.ge [sflag:s14], $0x2000  }
0xd6: {  	[sflag:s14] =	ssyncset.done $0x0  }
0xd7: {  	s1 =	simm.s32 $0x6D80;
	[sflag:s14] =	ssyncadd.s32 $0xFFFFE000  }
0xd8: {  	[tilespmem:s25], [sflag:$0x2] =	stream.indirect.gather [spmem:s2], $0x80, s1, s19, $0xb8;
	[tilespmem:$0x17100] =	vst v63  }
0xd9: {  	_ =	swait.ge [sflag:s15], $0x2000  }
0xda: {  	[sflag:s15] =	ssyncset.done $0x0  }
0xdb: {  	s28 =	simm.s32 $0xB100;
	s8 =	sadd.s32 $0x800, s0;
	[sflag:s15] =	ssyncadd.s32 $0xFFFFE000  }
0xdc: {  	[hbm4b:s8+s3] =	stream.linear.scatter [tilespmem:s28], [sflag:$0xB], $0x2000, $0x38;
	[tilespmem:$0x17100] =	vst v63  }
0xdd: {  	v58 =	vld [tilespmem:s29+$0xFFFFFE90];
	_ =	sdelay $0x4  }
0xde: {  	v0 =	vmul.f32 $2.880000000e+02, v58;
	_ =	sdelay $0x1  }
0xdf: {  	v0 =	vtrunc.f32 v0  }
0xe0: {  	v0 =	vcvt.f32.s32 v0;
	_ =	sdelay $0x1  }
0xe1: {  	[tilespmem:$0x6E00] =	vst v0  }
0xe2: {  	v0 =	vld [tilespmem:s29+$0xFFFFFEA0];
	_ =	sdelay $0x4  }
0xe3: {  	v0 =	vmul.f32 $2.880000000e+02, v0;
	_ =	sdelay $0x1  }
0xe4: {  	v0 =	vtrunc.f32 v0  }
0xe5: {  	v0 =	vcvt.f32.s32 v0;
	_ =	sdelay $0x1  }
0xe6: {  	[tilespmem:$0x6E10] =	vst v0  }
0xe7: {  	v0 =	vld [tilespmem:s29+$0xFFFFFEB0];
	_ =	sdelay $0x4  }
0xe8: {  	v0 =	vmul.f32 $2.880000000e+02, v0;
	_ =	sdelay $0x1  }
0xe9: {  	v0 =	vtrunc.f32 v0  }
0xea: {  	v0 =	vcvt.f32.s32 v0;
	_ =	sdelay $0x1  }
0xeb: {  	[tilespmem:$0x6E20] =	vst v0  }
0xec: {  	v0 =	vld [tilespmem:s29+$0xFFFFFEC0];
	_ =	sdelay $0x4  }
0xed: {  	v0 =	vmul.f32 $2.880000000e+02, v0;
	_ =	sdelay $0x1  }
0xee: {  	v0 =	vtrunc.f32 v0  }
0xef: {  	v0 =	vcvt.f32.s32 v0;
	_ =	sdelay $0x1  }
0xf0: {  	[tilespmem:$0x6E30] =	vst v0  }
0xf1: {  	_ =	swait.ge [sflag:s16], $0x2000  }
0xf2: {  	[sflag:s16] =	ssyncset.done $0x0  }
0xf3: {  	s9 =	simm.s32 $0x6E00;
	[sflag:s16] =	ssyncadd.s32 $0xFFFFE000  }
0xf4: {  	[tilespmem:s28], [sflag:$0x3] =	stream.indirect.gather [spmem:s2], $0x80, s9, s19, $0xb8;
	[tilespmem:$0x17100] =	vst v63  }
0xf5: {  	_ =	swait.ge [sflag:s18], $0x2000  }
0xf6: {  	[sflag:s18] =	ssyncset.done $0x0  }
0xf7: {  	s17 =	simm.s32 $0xD100;
	s10 =	sadd.s32 $0xC00, s0;
	[sflag:s18] =	ssyncadd.s32 $0xFFFFE000  }
0xf8: {  	[hbm4b:s10+s3] =	stream.linear.scatter [tilespmem:s17], [sflag:$0xC], $0x2000, $0x38;
	[tilespmem:$0x17100] =	vst v63  }
0xf9: {  	v59 =	vld [tilespmem:s29+$0xFFFFFED0];
	_ =	sdelay $0x4  }
0xfa: {  	v0 =	vmul.f32 $2.880000000e+02, v59;
	_ =	sdelay $0x1  }
0xfb: {  	v0 =	vtrunc.f32 v0  }
0xfc: {  	v0 =	vcvt.f32.s32 v0;
	_ =	sdelay $0x1  }
0xfd: {  	[tilespmem:$0x6E80] =	vst v0  }
0xfe: {  	v0 =	vld [tilespmem:s29+$0xFFFFFEE0];
	_ =	sdelay $0x4  }
0xff: {  	v0 =	vmul.f32 $2.880000000e+02, v0;
	_ =	sdelay $0x1  }
0x100: {  	v0 =	vtrunc.f32 v0  }
0x101: {  	v0 =	vcvt.f32.s32 v0;
	_ =	sdelay $0x1  }
0x102: {  	[tilespmem:$0x6E90] =	vst v0  }
0x103: {  	v0 =	vld [tilespmem:s29+$0xFFFFFEF0];
	_ =	sdelay $0x4  }
0x104: {  	v0 =	vmul.f32 $2.880000000e+02, v0;
	_ =	sdelay $0x1  }
0x105: {  	v0 =	vtrunc.f32 v0  }
0x106: {  	v0 =	vcvt.f32.s32 v0;
	_ =	sdelay $0x1  }
0x107: {  	[tilespmem:$0x6EA0] =	vst v0  }
0x108: {  	v0 =	vld [tilespmem:s29+$0xFFFFFF00];
	_ =	sdelay $0x4  }
0x109: {  	v0 =	vmul.f32 $2.880000000e+02, v0;
	_ =	sdelay $0x1  }
0x10a: {  	v0 =	vtrunc.f32 v0  }
0x10b: {  	v0 =	vcvt.f32.s32 v0;
	_ =	sdelay $0x1  }
0x10c: {  	s5 =	simm.s32 $0xC;
	[tilespmem:$0x6EB0] =	vst v0  }
0x10d: {  	_ =	swait.ge [sflag:s5], $0x2000  }
0x10e: {  	[sflag:s5] =	ssyncset.done $0x0  }
0x10f: {  	s28 =	simm.s32 $0x6E80;
	[sflag:s5] =	ssyncadd.s32 $0xFFFFE000  }
0x110: {  	[tilespmem:s17], [sflag:$0x4] =	stream.indirect.gather [spmem:s2], $0x80, s28, s19, $0xb8;
	[tilespmem:$0x17100] =	vst v63  }
0x111: {  	_ =	swait.ge [sflag:s22], $0x2000  }
0x112: {  	[sflag:s22] =	ssyncset.done $0x0  }
0x113: {  	s6 =	sadd.s32 $0x1000, s0;
	s5 =	simm.s32 $0xF100;
	[sflag:s22] =	ssyncadd.s32 $0xFFFFE000  }
0x114: {  	[hbm4b:s6+s3] =	stream.linear.scatter [tilespmem:s5], [sflag:$0xD], $0x2000, $0x38;
	[tilespmem:$0x17100] =	vst v63  }
0x115: {  	v60 =	vld [tilespmem:s29+$0xFFFFFF10];
	_ =	sdelay $0x4  }
0x116: {  	v0 =	vmul.f32 $2.880000000e+02, v60;
	_ =	sdelay $0x1  }
0x117: {  	v0 =	vtrunc.f32 v0  }
0x118: {  	v0 =	vcvt.f32.s32 v0;
	_ =	sdelay $0x1  }
0x119: {  	[tilespmem:$0x6F00] =	vst v0  }
0x11a: {  	v0 =	vld [tilespmem:s29+$0xFFFFFF20];
	_ =	sdelay $0x4  }
0x11b: {  	v0 =	vmul.f32 $2.880000000e+02, v0;
	_ =	sdelay $0x1  }
0x11c: {  	v0 =	vtrunc.f32 v0  }
0x11d: {  	v0 =	vcvt.f32.s32 v0;
	_ =	sdelay $0x1  }
0x11e: {  	[tilespmem:$0x6F10] =	vst v0  }
0x11f: {  	v0 =	vld [tilespmem:s29+$0xFFFFFF30];
	_ =	sdelay $0x4  }
0x120: {  	v0 =	vmul.f32 $2.880000000e+02, v0;
	_ =	sdelay $0x1  }
0x121: {  	v0 =	vtrunc.f32 v0  }
0x122: {  	v0 =	vcvt.f32.s32 v0;
	_ =	sdelay $0x1  }
0x123: {  	[tilespmem:$0x6F20] =	vst v0  }
0x124: {  	v0 =	vld [tilespmem:s29+$0xFFFFFF40];
	_ =	sdelay $0x4  }
0x125: {  	v0 =	vmul.f32 $2.880000000e+02, v0;
	_ =	sdelay $0x1  }
0x126: {  	v0 =	vtrunc.f32 v0  }
0x127: {  	v0 =	vcvt.f32.s32 v0;
	_ =	sdelay $0x1  }
0x128: {  	s7 =	simm.s32 $0xD;
	[tilespmem:$0x6F30] =	vst v0  }
0x129: {  	_ =	swait.ge [sflag:s7], $0x2000  }
0x12a: {  	[sflag:s7] =	ssyncset.done $0x0  }
0x12b: {  	s1 =	simm.s32 $0x6F00;
	[sflag:s7] =	ssyncadd.s32 $0xFFFFE000  }
0x12c: {  	[tilespmem:s5], [sflag:$0x5] =	stream.indirect.gather [spmem:s2], $0x80, s1, s19, $0xb8;
	[tilespmem:$0x17100] =	vst v63  }
0x12d: {  	_ =	swait.ge [sflag:s26], $0x2000  }
0x12e: {  	[sflag:s26] =	ssyncset.done $0x0  }
0x12f: {  	s8 =	sadd.s32 $0x1400, s0;
	s7 =	simm.s32 $0x11100;
	[sflag:s26] =	ssyncadd.s32 $0xFFFFE000  }
0x130: {  	[hbm4b:s8+s3] =	stream.linear.scatter [tilespmem:s7], [sflag:$0xE], $0x2000, $0x38;
	[tilespmem:$0x17100] =	vst v63  }
0x131: {  	v61 =	vld [tilespmem:s29+$0xFFFFFF50];
	_ =	sdelay $0x4  }
0x132: {  	v0 =	vmul.f32 $2.880000000e+02, v61;
	_ =	sdelay $0x1  }
0x133: {  	v0 =	vtrunc.f32 v0  }
0x134: {  	v0 =	vcvt.f32.s32 v0;
	_ =	sdelay $0x1  }
0x135: {  	[tilespmem:$0x6F80] =	vst v0  }
0x136: {  	v0 =	vld [tilespmem:s29+$0xFFFFFF60];
	_ =	sdelay $0x4  }
0x137: {  	v0 =	vmul.f32 $2.880000000e+02, v0;
	_ =	sdelay $0x1  }
0x138: {  	v0 =	vtrunc.f32 v0  }
0x139: {  	v0 =	vcvt.f32.s32 v0;
	_ =	sdelay $0x1  }
0x13a: {  	[tilespmem:$0x6F90] =	vst v0  }
0x13b: {  	v0 =	vld [tilespmem:s29+$0xFFFFFF70];
	_ =	sdelay $0x4  }
0x13c: {  	v0 =	vmul.f32 $2.880000000e+02, v0;
	_ =	sdelay $0x1  }
0x13d: {  	v0 =	vtrunc.f32 v0  }
0x13e: {  	v0 =	vcvt.f32.s32 v0;
	_ =	sdelay $0x1  }
0x13f: {  	[tilespmem:$0x6FA0] =	vst v0  }
0x140: {  	v0 =	vld [tilespmem:s29+$0xFFFFFF80];
	_ =	sdelay $0x4  }
0x141: {  	v0 =	vmul.f32 $2.880000000e+02, v0;
	_ =	sdelay $0x1  }
0x142: {  	v0 =	vtrunc.f32 v0  }
0x143: {  	v0 =	vcvt.f32.s32 v0;
	_ =	sdelay $0x1  }
0x144: {  	s9 =	simm.s32 $0xE;
	[tilespmem:$0x6FB0] =	vst v0  }
0x145: {  	_ =	swait.ge [sflag:s9], $0x2000  }
0x146: {  	[sflag:s9] =	ssyncset.done $0x0  }
0x147: {  	s5 =	simm.s32 $0x6F80;
	[sflag:s9] =	ssyncadd.s32 $0xFFFFE000  }
0x148: {  	[tilespmem:s7], [sflag:$0x6] =	stream.indirect.gather [spmem:s2], $0x80, s5, s19, $0xb8;
	[tilespmem:$0x17100] =	vst v63  }
0x149: {  	_ =	swait.ge [sflag:s24], $0x2000  }
0x14a: {  	[sflag:s24] =	ssyncset.done $0x0  }
0x14b: {  	s10 =	sadd.s32 $0x1800, s0;
	s9 =	simm.s32 $0x13100;
	[sflag:s24] =	ssyncadd.s32 $0xFFFFE000  }
0x14c: {  	[hbm4b:s10+s3] =	stream.linear.scatter [tilespmem:s9], [sflag:$0xF], $0x2000, $0x38;
	[tilespmem:$0x17100] =	vst v63  }
0x14d: {  	v62 =	vld [tilespmem:s29+$0xFFFFFF90];
	_ =	sdelay $0x4  }
0x14e: {  	v0 =	vmul.f32 $2.880000000e+02, v62;
	_ =	sdelay $0x1  }
0x14f: {  	v0 =	vtrunc.f32 v0  }
0x150: {  	v0 =	vcvt.f32.s32 v0;
	_ =	sdelay $0x1  }
0x151: {  	[tilespmem:$0x7000] =	vst v0  }
0x152: {  	v0 =	vld [tilespmem:s29+$0xFFFFFFA0];
	_ =	sdelay $0x4  }
0x153: {  	v0 =	vmul.f32 $2.880000000e+02, v0;
	_ =	sdelay $0x1  }
0x154: {  	v0 =	vtrunc.f32 v0  }
0x155: {  	v0 =	vcvt.f32.s32 v0;
	_ =	sdelay $0x1  }
0x156: {  	[tilespmem:$0x7010] =	vst v0  }
0x157: {  	v0 =	vld [tilespmem:s29+$0xFFFFFFB0];
	_ =	sdelay $0x4  }
0x158: {  	v0 =	vmul.f32 $2.880000000e+02, v0;
	_ =	sdelay $0x1  }
0x159: {  	v0 =	vtrunc.f32 v0  }
0x15a: {  	v0 =	vcvt.f32.s32 v0;
	_ =	sdelay $0x1  }
0x15b: {  	[tilespmem:$0x7020] =	vst v0  }
0x15c: {  	v0 =	vld [tilespmem:s29+$0xFFFFFFC0];
	_ =	sdelay $0x4  }
0x15d: {  	v0 =	vmul.f32 $2.880000000e+02, v0;
	_ =	sdelay $0x1  }
0x15e: {  	v0 =	vtrunc.f32 v0  }
0x15f: {  	v0 =	vcvt.f32.s32 v0;
	_ =	sdelay $0x1  }
0x160: {  	s8 =	simm.s32 $0xF;
	[tilespmem:$0x7030] =	vst v0  }
0x161: {  	_ =	swait.ge [sflag:s8], $0x2000  }
0x162: {  	[sflag:s8] =	ssyncset.done $0x0  }
0x163: {  	s7 =	simm.s32 $0x7000;
	[sflag:s8] =	ssyncadd.s32 $0xFFFFE000  }
0x164: {  	[tilespmem:s9], [sflag:$0x7] =	stream.indirect.gather [spmem:s2], $0x80, s7, s19, $0xb8;
	[tilespmem:$0x17100] =	vst v63  }
0x165: {  	_ =	swait.ge [sflag:s20], $0x2000  }
0x166: {  	[sflag:s20] =	ssyncset.done $0x0  }
0x167: {  	s4 =	simm.s32 $0x15100;
	s0 =	sadd.s32 $0x1C00, s0;
	[sflag:s20] =	ssyncadd.s32 $0xFFFFE000  }
0x168: {  	[hbm4b:s0+s3] =	stream.linear.scatter [tilespmem:s4], [sflag:$0x10], $0x2000, $0x38;
	[tilespmem:$0x17100] =	vst v63  }
0x169: {  	v63 =	vld [tilespmem:s29+$0xFFFFFFD0];
	_ =	sdelay $0x4  }
0x16a: {  	v0 =	vmul.f32 $2.880000000e+02, v63;
	_ =	sdelay $0x1  }
0x16b: {  	v0 =	vtrunc.f32 v0  }
0x16c: {  	v0 =	vcvt.f32.s32 v0;
	_ =	sdelay $0x1  }
0x16d: {  	[tilespmem:$0x7080] =	vst v0  }
0x16e: {  	v0 =	vld [tilespmem:s29+$0xFFFFFFE0];
	_ =	sdelay $0x4  }
0x16f: {  	v0 =	vmul.f32 $2.880000000e+02, v0;
	_ =	sdelay $0x1  }
0x170: {  	v0 =	vtrunc.f32 v0  }
0x171: {  	v0 =	vcvt.f32.s32 v0;
	_ =	sdelay $0x1  }
0x172: {  	[tilespmem:$0x7090] =	vst v0  }
0x173: {  	v0 =	vld [tilespmem:s29+$0xFFFFFFF0];
	_ =	sdelay $0x4  }
0x174: {  	v0 =	vmul.f32 $2.880000000e+02, v0;
	_ =	sdelay $0x1  }
0x175: {  	v0 =	vtrunc.f32 v0  }
0x176: {  	v0 =	vcvt.f32.s32 v0;
	_ =	sdelay $0x1  }
0x177: {  	[tilespmem:$0x70A0] =	vst v0  }
0x178: {  	v0 =	vld [tilespmem:s29+$0x0];
	_ =	sdelay $0x4  }
0x179: {  	v0 =	vmul.f32 $2.880000000e+02, v0;
	_ =	sdelay $0x1  }
0x17a: {  	v0 =	vtrunc.f32 v0  }
0x17b: {  	s23 =	simm.s32 $0x7100;
	s21 =	simm.s32 $0x9100;
	v0 =	vcvt.f32.s32 v0  }
0x17c: {  	s30 =	simm.s32 $0xD100;
	p1 =	sne.s32 s31, $0x60000;
	s31 =	sadd.s32 $0x2000, s31  }
.Ltmp0:
0x17d: {  	s25 =	simm.s32 $0xB100;
	s10 =	simm.s32 $0x10;
	[tilespmem:$0x70B0] =	vst v0;
	(pc) =	sbr.rel @p1 .LBB2_2-.Ltmp0, $4  }
0x17e: {  	s17 =	simm.s32 $0xF100;
	s6 =	simm.s32 $0x11100;
	_ =	swait.ge [sflag:s10], $0x2000  }
0x17f: {  	s8 =	simm.s32 $0x13100;
	s9 =	simm.s32 $0x7080;
	[sflag:s10] =	ssyncset.done $0x0  }
0x180: {  	s29 =	sadd.s32 $0x200, s29;
	[sflag:s10] =	ssyncadd.s32 $0xFFFFE000;
	s10 =	simm.s32 $0x15100  }
0x181: {  	[tilespmem:s4], [sflag:$0x8] =	stream.indirect.gather [spmem:s2], $0x80, s9, s19, $0xb8;
	[tilespmem:$0x17100] =	vst v63  }
0x182: {  	_ =	swait.ge [sflag:s11], $0x2000  }
0x183: {  	[sflag:s11] =	ssyncset.done $0x0  }
0x184: {  	s0 =	rddreg [dreg:$0x9];
	[sflag:s11] =	ssyncadd.s32 $0xFFFFE000  }
0x185: {  	[hbm4b:s0+s3] =	stream.linear.scatter [tilespmem:s23], [sflag:$0x9], $0x2000, $0x38;
	[tilespmem:$0x17100] =	vst v63  }
0x186: {  	_ =	swait.ge [sflag:s13], $0x2000  }
0x187: {  	[sflag:s13] =	ssyncset.done $0x0  }
0x188: {  	s4 =	rddreg [dreg:$0xa];
	[sflag:s13] =	ssyncadd.s32 $0xFFFFE000  }
0x189: {  	[hbm4b:s4+s3] =	stream.linear.scatter [tilespmem:s21], [sflag:$0xA], $0x2000, $0x38;
	[tilespmem:$0x17100] =	vst v63  }
0x18a: {  	_ =	swait.ge [sflag:s15], $0x2000  }
0x18b: {  	[sflag:s15] =	ssyncset.done $0x0  }
0x18c: {  	s11 =	rddreg [dreg:$0xb];
	[sflag:s15] =	ssyncadd.s32 $0xFFFFE000  }
0x18d: {  	[hbm4b:s11+s3] =	stream.linear.scatter [tilespmem:s25], [sflag:$0xB], $0x2000, $0x38;
	[tilespmem:$0x17100] =	vst v63  }
0x18e: {  	_ =	swait.ge [sflag:s18], $0x2000  }
0x18f: {  	[sflag:s18] =	ssyncset.done $0x0  }
0x190: {  	s29 =	rddreg [dreg:$0xc];
	[sflag:s18] =	ssyncadd.s32 $0xFFFFE000  }
0x191: {  	[hbm4b:s29+s3] =	stream.linear.scatter [tilespmem:s30], [sflag:$0xC], $0x2000, $0x38;
	[tilespmem:$0x17100] =	vst v63  }
0x192: {  	_ =	swait.ge [sflag:s22], $0x2000  }
0x193: {  	[sflag:s22] =	ssyncset.done $0x0  }
0x194: {  	s4 =	rddreg [dreg:$0xd];
	[sflag:s22] =	ssyncadd.s32 $0xFFFFE000  }
0x195: {  	[hbm4b:s4+s3] =	stream.linear.scatter [tilespmem:s17], [sflag:$0xD], $0x2000, $0x38;
	[tilespmem:$0x17100] =	vst v63  }
0x196: {  	_ =	swait.ge [sflag:s26], $0x2000  }
0x197: {  	[sflag:s26] =	ssyncset.done $0x0  }
0x198: {  	s11 =	rddreg [dreg:$0xe];
	[sflag:s26] =	ssyncadd.s32 $0xFFFFE000  }
0x199: {  	[hbm4b:s11+s3] =	stream.linear.scatter [tilespmem:s6], [sflag:$0xE], $0x2000, $0x38;
	[tilespmem:$0x17100] =	vst v63  }
0x19a: {  	_ =	swait.ge [sflag:s24], $0x2000  }
0x19b: {  	[sflag:s24] =	ssyncset.done $0x0  }
0x19c: {  	s29 =	rddreg [dreg:$0xf];
	[sflag:s24] =	ssyncadd.s32 $0xFFFFE000  }
0x19d: {  	[hbm4b:s29+s3] =	stream.linear.scatter [tilespmem:s8], [sflag:$0xF], $0x2000, $0x38;
	[tilespmem:$0x17100] =	vst v63  }
0x19e: {  	_ =	swait.ge [sflag:s20], $0x2000  }
0x19f: {  	[sflag:s20] =	ssyncset.done $0x0  }
0x1a0: {  	s4 =	rddreg [dreg:$0x10];
	[sflag:s20] =	ssyncadd.s32 $0xFFFFE000  }
0x1a1: {  	[hbm4b:s4+s3] =	stream.linear.scatter [tilespmem:s10], [sflag:$0x10], $0x2000, $0x38;
	[tilespmem:$0x17100] =	vst v63  }
0x1a2: {  	_ =	swait.ge [sflag:s12], $0x2000  }
0x1a3: {  	[sflag:s12] =	ssyncset.done $0x0  }
0x1a4: {  	[sflag:s12] =	ssyncadd.s32 $0xFFFFE000  }
0x1a5: {  	_ =	swait.ge [sflag:s14], $0x2000  }
0x1a6: {  	[sflag:s14] =	ssyncset.done $0x0  }
0x1a7: {  	[sflag:s14] =	ssyncadd.s32 $0xFFFFE000  }
0x1a8: {  	_ =	swait.ge [sflag:s16], $0x2000  }
0x1a9: {  	[sflag:s16] =	ssyncset.done $0x0  }
0x1aa: {  	s11 =	simm.s32 $0xC;
	[sflag:s16] =	ssyncadd.s32 $0xFFFFE000  }
0x1ab: {  	_ =	swait.ge [sflag:s11], $0x2000  }
0x1ac: {  	[sflag:s11] =	ssyncset.done $0x0  }
0x1ad: {  	s29 =	simm.s32 $0xD;
	[sflag:s11] =	ssyncadd.s32 $0xFFFFE000  }
0x1ae: {  	_ =	swait.ge [sflag:s29], $0x2000  }
0x1af: {  	[sflag:s29] =	ssyncset.done $0x0  }
0x1b0: {  	s4 =	simm.s32 $0xE;
	[sflag:s29] =	ssyncadd.s32 $0xFFFFE000  }
0x1b1: {  	_ =	swait.ge [sflag:s4], $0x2000  }
0x1b2: {  	[sflag:s4] =	ssyncset.done $0x0  }
0x1b3: {  	s11 =	simm.s32 $0xF;
	[sflag:s4] =	ssyncadd.s32 $0xFFFFE000  }
0x1b4: {  	_ =	swait.ge [sflag:s11], $0x2000  }
0x1b5: {  	[sflag:s11] =	ssyncset.done $0x0  }
0x1b6: {  	[sflag:s11] =	ssyncadd.s32 $0xFFFFE000;
	s11 =	simm.s32 $0x10  }
0x1b7: {  	_ =	swait.ge [sflag:s11], $0x2000  }
0x1b8: {  	s4 =	rddreg [dreg:$0x14]  }
0x1b9: {  	s29 =	rddreg [dreg:$0x11];
	s4 =	sadd.s32 $0x1, s4  }
0x1ba: {  	p1 =	sne.s32 s4, s29  }
.Ltmp1:
0x1bb: {  	_ = 	snop;
	(pc) =	sbr.rel @p1 .LBB2_1-.Ltmp1, $3  }
0x1bc: {  	_ =	sdelay $0x1  }
0x1bd: {  	[sflag:s11] =	ssyncset.done $0x0  }
0x1be: {  	s31 =	simm.s32 $0x6D00;
	[sflag:s11] =	ssyncadd.s32 $0xFFFFE000  }
0x1bf: {  	_ =	sfence.sel $0x180000  }
0x1c0: {  	[bflag:$0x0] =	sbarrier.arrive $0xFFFF  }
0x1c1: {  	_ =	strace $0x90000047  }
0x1c2: {  	s0 =	stileid.u32;
	[bflag:$0x2] =	sbarrier.arrive $0xFFFF  }
0x1c3: {  	p0 =	sne.s32 s0, $0x0;
	s0 =	rddreg [dreg:$0x4]  }
0x1c4: {  	s0 =	sadd.s32 @!p0 $0x100000, s0  }
0x1c5: {  	[sflag:s0] =	ssyncadd.tile.s32 @!p0 $0x1;
	_ =	shalt  }
.Lfunc_end2:
_tile_overlayer_lowered:
.L_overlay_start_2:
0x1c6: {  	(tag) =	ssettag $0x2  }
0x1c7: {  	s0 =	rddreg [dreg:$0x0];
	s2 =	stileid.u32  }
0x1c8: {  	s1 =	rddreg [dreg:$0x1];
	p0 =	sne.s32 s2, $0x0  }
0x1c9: {  	s3 =	rddreg [dreg:$0x2];
	[bflag:$0x3] =	sbarrier.arrive $0xFFFF;
	s2 =	simm.s32 @!p0 $0x1C11  }
0x1ca: {  	[timem:s3], [sflag:s2] =	dma.local @!p0 [hbm:s0], s1  }
0x1cb: {  	s0 =	simm.s32 @!p0 $0x11  }
0x1cc: {  	_ =	swait.ge @!p0 [sflag:s0], s1  }
0x1cd: {  	s1 =	ssub.s32 @!p0 $0x0, s1;
	[sflag:s0] =	ssyncset.done @!p0 $0x0  }
0x1ce: {  	[sflag:s0] =	ssyncadd.s32 @!p0 s1  }
0x1cf: {  	[bflag:$0x3] =	sbarrier.arrive $0xFFFF  }
0x1d0: {  	_ =	shalt  }

</sc_bundles>
